<compile_context>
chip_gen: v7x
topology: tpu7x:2x2x1
jax: 0.10.2.dev20260603
libtpu: 0.0.44.dev20260713+nightly
codegen_flags: <defaults>
</compile_context>

<pallas_src>
import functools

import jax
import jax.numpy as jnp
from jax import lax
from jax.experimental import pallas as pl
from jax.experimental.pallas import tpu as pltpu
from jax.experimental.pallas import tpu_sc as plsc

_SCALE = 10.0
_K = 10
_TEMP = 0.5


def _align_body(feat_ref, txt_ref, aligned_ref, kl_ref):
    a = feat_ref[0]
    t = txt_ref[0]
    b = a.shape[0]
    an = jnp.sqrt(jnp.sum(a * a, axis=1, keepdims=True))
    a = a / jnp.maximum(an, 1e-12)
    tn = jnp.sqrt(jnp.sum(t * t, axis=1, keepdims=True))
    t = t / jnp.maximum(tn, 1e-12)
    si = lax.dot_general(a, a, (((1,), (1,)), ((), ())),
                         precision=lax.Precision.HIGHEST,
                         preferred_element_type=jnp.float32) * (1.0 / _TEMP)
    st = lax.dot_general(t, t, (((1,), (1,)), ((), ())),
                         precision=lax.Precision.HIGHEST,
                         preferred_element_type=jnp.float32) * (1.0 / _TEMP)

    def logsoftmax(s):
        m = jnp.max(s, axis=1, keepdims=True)
        e = jnp.exp(s - m)
        lse = jnp.log(jnp.sum(e, axis=1, keepdims=True)) + m
        return s - lse

    li = logsoftmax(si)
    lt = logsoftmax(st)
    pi = jnp.exp(li)
    pt = jnp.exp(lt)
    kl1 = jnp.sum(pt * (lt - li)) / b
    kl2 = jnp.sum(pi * (li - lt)) / b
    kl_ref[...] = jnp.broadcast_to(0.5 * (kl1 + kl2), (1, 1, 1))
    aligned_ref[0] = a + (t - a) * 0.1


def _knn_body(feat_ref, cen_ref, pos_ref, topk_ref, rl_ref):
    a = feat_ref[0]
    c = cen_ref[0]
    r, ddim = a.shape
    n = c.shape[0]
    h = n // 2
    posf = pos_ref[0, 0, :][:, None]

    rn = jnp.sum(a * a, axis=1, keepdims=True)
    cn = lax.dot_general(jnp.ones((1, ddim), jnp.float32), c * c,
                         (((1,), (1,)), ((), ())),
                         precision=lax.Precision.HIGHEST,
                         preferred_element_type=jnp.float32)
    ac = lax.dot_general(a, c, (((1,), (1,)), ((), ())),
                         precision=lax.Precision.DEFAULT,
                         preferred_element_type=jnp.float32)
    colf = lax.broadcasted_iota(jnp.int32, (r, n), 1).astype(jnp.float32)
    d = jnp.where(colf == posf, jnp.inf, rn + cn - 2.0 * ac)
    y = jnp.log(jnp.sum(jnp.exp(-_SCALE * d), axis=1))

    d_lo, d_hi = d[:, :h], d[:, h:]
    p_lo, p_hi = colf[:, :h], colf[:, h:]
    swap = d_hi < d_lo
    f1 = jnp.where(swap, d_hi, d_lo)
    f2 = jnp.where(swap, d_lo, d_hi)
    p1 = jnp.where(swap, p_hi, p_lo)
    p2 = jnp.where(swap, p_lo, p_hi)

    xsum = jnp.zeros((r, 1), jnp.float32)
    pv = jnp.zeros((r, 128), jnp.int32)
    lane = lax.broadcasted_iota(jnp.int32, (r, 128), 1)
    m = jnp.min(f1, axis=1, keepdims=True)
    for k in range(_K):
        key = jnp.min(jnp.where(f1 == m, p1, jnp.inf),
                      axis=1, keepdims=True)
        xsum = xsum + jnp.exp(-_SCALE * m)
        fidx = jnp.where(key > posf, key - 1.0, key)
        pv = jnp.where(lane == k, fidx.astype(jnp.int32), pv)
        cond = p1 == key
        f1 = jnp.where(cond, f2, f1)
        p1 = jnp.where(cond, p2, p1)
        f2 = jnp.where(cond, jnp.inf, f2)
        if k < _K - 1:
            m = jnp.min(f1, axis=1, keepdims=True)
    x = jnp.log(xsum[:, 0])
    rl_ref[0, 0, :] = y - x
    topk_ref[0] = pv


def _sc_gather(idx_flat, table, n_items, n_table):
    info = plsc.get_sparse_core_info()
    nc, ns, lanes = info.num_cores, info.num_subcores, info.num_lanes
    nw = nc * ns
    per_w = n_items // nw

    @functools.partial(
        pl.kernel,
        mesh=plsc.VectorSubcoreMesh(core_axis_name="c", subcore_axis_name="s"),
        out_type=jax.ShapeDtypeStruct((n_items,), jnp.int32),
        scratch_types=[
            pltpu.VMEM((per_w,), jnp.int32),
            pltpu.VMEM((n_table,), jnp.int32),
            pltpu.VMEM((per_w,), jnp.int32),
        ],
        compiler_params=pltpu.CompilerParams(needs_layout_passes=False),
    )
    def k(idx_hbm, table_hbm, out_hbm, idx_v, table_v, out_v):
        wid = lax.axis_index("s") * nc + lax.axis_index("c")
        base = wid * per_w
        pltpu.sync_copy(idx_hbm.at[pl.ds(base, per_w)], idx_v)
        pltpu.sync_copy(table_hbm, table_v)

        def body(i, _):
            iv = idx_v[pl.ds(i * lanes, lanes)]
            out_v[pl.ds(i * lanes, lanes)] = plsc.load_gather(table_v, [iv])
            return 0

        lax.fori_loop(0, per_w // lanes, body, 0)
        pltpu.sync_copy(out_v, out_hbm.at[pl.ds(base, per_w)])

    return k(idx_flat, table)


def kernel(feature, text_feature, centers, text_centers, position,
           pm_camid, pm_vid, camid):
    p, b, dd = feature.shape
    n = centers.shape[1]
    txt = jnp.transpose(text_feature, (1, 0, 2))

    aligned, klp = pl.pallas_call(
        _align_body,
        grid=(p,),
        in_specs=[
            pl.BlockSpec((1, b, dd), lambda i: (i, 0, 0)),
            pl.BlockSpec((1, b, dd), lambda i: (i, 0, 0)),
        ],
        out_specs=[
            pl.BlockSpec((1, b, dd), lambda i: (i, 0, 0)),
            pl.BlockSpec((1, 1, 1), lambda i: (i, 0, 0)),
        ],
        out_shape=[
            jax.ShapeDtypeStruct((p, b, dd), jnp.float32),
            jax.ShapeDtypeStruct((p, 1, 1), jnp.float32),
        ],
    )(feature, txt)

    r = 256 if b % 256 == 0 else b
    nb = b // r
    posr = position.astype(jnp.float32).reshape(nb, 1, r)

    topk_pad, rowloss = pl.pallas_call(
        _knn_body,
        grid=(p, nb),
        in_specs=[
            pl.BlockSpec((1, r, dd), lambda i, j: (i, j, 0)),
            pl.BlockSpec((1, n, dd), lambda i, j: (i, 0, 0)),
            pl.BlockSpec((1, 1, r), lambda i, j: (j, 0, 0)),
        ],
        out_specs=[
            pl.BlockSpec((1, r, 128), lambda i, j: (i, j, 0)),
            pl.BlockSpec((1, 1, r), lambda i, j: (i * nb + j, 0, 0)),
        ],
        out_shape=[
            jax.ShapeDtypeStruct((p, b, 128), jnp.int32),
            jax.ShapeDtypeStruct((p * nb, 1, r), jnp.float32),
        ],
    )(aligned, centers, posr)

    fidx = topk_pad[:, :, :_K].reshape(-1)
    posvid = _sc_gather(fidx, pm_vid, p * b * _K, n).reshape(p, b, _K)

    lp = jnp.sum(rowloss.reshape(p, b), axis=1) / b
    lp = jnp.where(jnp.isnan(lp), 0.0, lp)
    loss = jnp.sum(lp) / p + 0.5 * jnp.sum(klp)
    return loss, posvid

# --- scband reference (transcript-rebuilt; emitter-appended) ---
"""Pipeline reference for scband-pedal-26482768347620 (READ-ONLY COPY).

The authoritative reference and input builder live on the scoring server;
editing this copy changes nothing except your own understanding.
"""

import jax, jax.numpy as jnp
import numpy as np

SCALE = 10
K = 10
TEMP = 0.5
THR = 0.7
P, B, D, N = 4, 1024, 128, 8192


def l2norm(x):
    return x / jnp.clip(jnp.linalg.norm(x, axis=-1, keepdims=True), 1e-12, None)


def setup_inputs(seed: int = 0) -> dict:
    key = jax.random.key(seed)
    ks = jax.random.split(key, 8)
    feature = jax.random.normal(ks[0], (P, B, D), dtype=jnp.float32)
    text_feature = jax.random.normal(ks[1], (B, P, D), dtype=jnp.float32)
    centers = l2norm(jax.random.normal(ks[2], (P, N, D), dtype=jnp.float32))
    text_centers = jax.random.normal(ks[3], (P, N, D), dtype=jnp.float32)
    position = jax.random.randint(ks[4], (B,), 0, N)
    pm_camid = jax.random.randint(ks[5], (N,), 0, 15)
    pm_vid = jax.random.randint(ks[6], (N,), 0, 751)
    camid = jax.random.randint(ks[7], (B,), 0, 15)
    return {"feature": feature, "text_feature": text_feature, "centers": centers,
            "text_centers": text_centers, "position": position, "pm_camid": pm_camid,
            "pm_vid": pm_vid, "camid": camid}


def _forward(feature, text_feature, centers, text_centers, position, pm_camid, pm_vid, camid):
    sg = jax.lax.stop_gradient
    # --- align_distribution ---
    text_feats = jnp.transpose(text_feature, (1, 0, 2))
    align_loss = 0.0
    aligned = []
    for p in range(feature.shape[0]):
        img_part = l2norm(feature[p])
        txt_part = sg(l2norm(text_feats[p]))
        img_sim = (img_part @ img_part.T) / TEMP
        txt_sim = (txt_part @ txt_part.T) / TEMP
        # diagonal of both sims is 1/TEMP = 2.0 > THR, so mask.any(dim=1) is all-True
        # and the valid_mask filtering is the identity; computed on the full matrices.
        m = img_sim.shape[0]
        img_log_prob = jax.nn.log_softmax(img_sim, axis=-1)
        txt_log_prob = jax.nn.log_softmax(txt_sim, axis=-1)
        txt_prob = jax.nn.softmax(sg(txt_sim), axis=-1)
        img_prob = jax.nn.softmax(sg(img_sim), axis=-1)
        kl1 = jnp.sum(txt_prob * (jnp.log(txt_prob) - img_log_prob)) / m
        kl2 = jnp.sum(img_prob * (jnp.log(img_prob) - txt_log_prob)) / m
        align_loss = align_loss + 0.5 * (kl1 + kl2)
        residual = (txt_part - sg(img_part)) * 0.1
        aligned.append(img_part + residual)
    feat = jnp.stack(aligned, axis=0)
    # --- kNN memory loss ---
    loss = 0.0
    all_posvid = []
    for p in range(feat.shape[0]):
        part_feat = feat[p]
        part_centers = centers[p]
        m, n = part_feat.shape[0], part_centers.shape[0]
        dist = (jnp.sum(part_feat ** 2, axis=1, keepdims=True)
                + jnp.sum(part_centers ** 2, axis=1)[None, :]
                - 2.0 * (part_feat @ part_centers.T))
        # remove column position[i] from row i (static-shape gather equivalent of
        # dist_map[trick != position].view(m, -1))
        cols = jnp.arange(n - 1)[None, :]
        orig = cols + (cols >= position[:, None]).astype(jnp.int32)
        filtered = jnp.take_along_axis(dist, orig, axis=1)
        idx = jnp.argsort(filtered, axis=1)
        neg = jnp.take_along_axis(filtered, idx, axis=1)
        pos_vid = pm_vid[idx[:, :K]]  # original code indexes memory arrays with filtered-space indices
        all_posvid.append(pos_vid)
        x = jnp.log(jnp.sum(jnp.exp(-SCALE * neg[:, :K]), axis=1))
        y = jnp.log(jnp.sum(jnp.exp(-SCALE * neg), axis=1))
        l = jnp.sum(-x + y) / feat.shape[1]
        l = jnp.where(jnp.isnan(l), 0.0, l)
        loss = loss + l
    loss = loss / feat.shape[0] + 0.5 * align_loss
    return loss, jnp.stack(all_posvid, axis=0)


def reference(feature, text_feature, centers, text_centers, position, pm_camid, pm_vid, camid):
    return _forward(feature, text_feature, centers, text_centers, position, pm_camid, pm_vid, camid)

if __name__ == "__main__":
    import jax
    _d = setup_inputs()
    print(jax.jit(kernel)(*tuple(_d.values())))

</pallas_src>

<mosaic_0001>
#map = affine_map<(d0, d1) -> (0)>
module attributes {stable_mosaic.version = 14 : i64} {
  func.func @k(%arg0: i32, %arg1: i32, %arg2: memref<40960xi32, #tpu.memory_space<hbm>>, %arg3: memref<8192xi32, #tpu.memory_space<hbm>>, %arg4: memref<40960xi32, #tpu.memory_space<hbm>>, %arg5: memref<1280xi32, #tpu.memory_space<vmem>>, %arg6: memref<8192xi32, #tpu.memory_space<vmem>>, %arg7: memref<1280xi32, #tpu.memory_space<vmem>>) attributes {dimension_semantics = [#tpu.dimension_semantics<core_parallel>, #tpu.dimension_semantics<subcore_parallel>], iteration_bounds = array<i64: 2, 16>, scalar_prefetch = 0 : i64, scratch_operands = 3 : i64, tpu.core_type = #tpu.core_type<sc_vector_subcore>, window_params = [{transform_indices = #map}, {transform_indices = #map}, {transform_indices = #map}]} {
    %mul3A = arith.constant 2 : i32
    %mul3A_0 = arith.muli %arg1, %mul3A : i32
    %add3A = arith.addi %mul3A_0, %arg0 : i32
    %mul3A_1 = arith.constant 1280 : i32
    %mul3A_2 = arith.muli %add3A, %mul3A_1 : i32
    "tpu.region"() ({
      %run_scoped3A = tpu.sem_alloc : memref<!tpu.dma_semaphore, #tpu.memory_space<semaphore_mem>>
      %dma_start3A = tpu.memref_slice %arg2[%mul3A_2] : memref<40960xi32, #tpu.memory_space<hbm>> -> memref<1280xi32, #tpu.memory_space<hbm>>
      %dma_start3A_9 = tpu.memref_slice %arg2[%mul3A_2] : memref<40960xi32, #tpu.memory_space<hbm>> -> memref<1280xi32, #tpu.memory_space<hbm>>
      tpu.enqueue_dma source(%dma_start3A_9 : memref<1280xi32, #tpu.memory_space<hbm>>) target(%arg5 : memref<1280xi32, #tpu.memory_space<vmem>>) target_semaphore(%run_scoped3A : memref<!tpu.dma_semaphore, #tpu.memory_space<semaphore_mem>>)
      %dma_wait3A = tpu.memref_slice %arg2[%mul3A_2] : memref<40960xi32, #tpu.memory_space<hbm>> -> memref<1280xi32, #tpu.memory_space<hbm>>
      %dma_wait3A_10 = tpu.memref_slice %arg2[%mul3A_2] : memref<40960xi32, #tpu.memory_space<hbm>> -> memref<1280xi32, #tpu.memory_space<hbm>>
      tpu.wait_dma2 semaphore(%run_scoped3A : memref<!tpu.dma_semaphore, #tpu.memory_space<semaphore_mem>>) src(%dma_wait3A_10 : memref<1280xi32, #tpu.memory_space<hbm>>) dst(%arg5 : memref<1280xi32, #tpu.memory_space<vmem>>)
      tpu.yield
    }) : () -> ()
    "tpu.region"() ({
      %run_scoped3A = tpu.sem_alloc : memref<!tpu.dma_semaphore, #tpu.memory_space<semaphore_mem>>
      tpu.enqueue_dma source(%arg3 : memref<8192xi32, #tpu.memory_space<hbm>>) target(%arg6 : memref<8192xi32, #tpu.memory_space<vmem>>) target_semaphore(%run_scoped3A : memref<!tpu.dma_semaphore, #tpu.memory_space<semaphore_mem>>)
      tpu.wait_dma2 semaphore(%run_scoped3A : memref<!tpu.dma_semaphore, #tpu.memory_space<semaphore_mem>>) src(%arg3 : memref<8192xi32, #tpu.memory_space<hbm>>) dst(%arg6 : memref<8192xi32, #tpu.memory_space<vmem>>)
      tpu.yield
    }) : () -> ()
    %scan3A = arith.constant 0 : i32
    %scan3A_3 = arith.constant 0 : i32
    %scan3A_4 = arith.constant 80 : i32
    %scan3A_5 = arith.addi %scan3A_3, %scan3A_4 : i32
    %scan3A_6 = arith.constant 1 : i32
    %scan3A_7 = scf.for %scan3A_9 = %scan3A_3 to %scan3A_5 step %scan3A_6 iter_args(%scan3A_10 = %scan3A) -> (i32)  : i32 {
      %mul3A_11 = arith.constant 16 : i32
      %mul3A_12 = arith.muli %scan3A_9, %mul3A_11 : i32
      %get3A = arith.index_cast %mul3A_12 : i32 to index
      %get3A_13 = tpu.vector_load %arg5[%get3A] {strides = array<i32>} : memref<1280xi32, #tpu.memory_space<vmem>>, vector<16xi32>,
      %gather3A = tpu.vector_load_idx %arg6[%get3A_13] : memref<8192xi32, #tpu.memory_space<vmem>>[vector<16xi32>], vector<16xi32>,
      %mul3A_14 = arith.constant 16 : i32
      %mul3A_15 = arith.muli %scan3A_9, %mul3A_14 : i32
      %swap3A = arith.index_cast %mul3A_15 : i32 to index
      %swap3A_16 = tpu.vector_load %arg7[%swap3A] {strides = array<i32>} : memref<1280xi32, #tpu.memory_space<vmem>>, vector<16xi32>,
      tpu.vector_store %arg7[%swap3A], %gather3A {strides = array<i32>} : memref<1280xi32, #tpu.memory_space<vmem>>, vector<16xi32>,
      %scan3A_17 = arith.constant 0 : i32
      scf.yield %scan3A_17 : i32
    }
    %scan3A_8 = arith.constant 80 : i32
    "tpu.region"() ({
      %run_scoped3A = tpu.sem_alloc : memref<!tpu.dma_semaphore, #tpu.memory_space<semaphore_mem>>
      %dma_start3A = tpu.memref_slice %arg4[%mul3A_2] : memref<40960xi32, #tpu.memory_space<hbm>> -> memref<1280xi32, #tpu.memory_space<hbm>>
      %dma_start3A_9 = tpu.memref_slice %arg4[%mul3A_2] : memref<40960xi32, #tpu.memory_space<hbm>> -> memref<1280xi32, #tpu.memory_space<hbm>>
      tpu.enqueue_dma source(%arg7 : memref<1280xi32, #tpu.memory_space<vmem>>) target(%dma_start3A_9 : memref<1280xi32, #tpu.memory_space<hbm>>) target_semaphore(%run_scoped3A : memref<!tpu.dma_semaphore, #tpu.memory_space<semaphore_mem>>)
      %dma_wait3A = tpu.memref_slice %arg4[%mul3A_2] : memref<40960xi32, #tpu.memory_space<hbm>> -> memref<1280xi32, #tpu.memory_space<hbm>>
      %dma_wait3A_10 = tpu.memref_slice %arg4[%mul3A_2] : memref<40960xi32, #tpu.memory_space<hbm>> -> memref<1280xi32, #tpu.memory_space<hbm>>
      tpu.wait_dma2 semaphore(%run_scoped3A : memref<!tpu.dma_semaphore, #tpu.memory_space<semaphore_mem>>) src(%arg7 : memref<1280xi32, #tpu.memory_space<vmem>>) dst(%dma_wait3A_10 : memref<1280xi32, #tpu.memory_space<hbm>>)
      tpu.yield
    }) : () -> ()
    return
  }
}

module attributes {stable_mosaic.version = 14 : i64} {
  func.func @_align_body(%arg0: i32, %arg1: memref<1x1024x128xf32, #tpu.memory_space<vmem>>, %arg2: memref<1x1024x128xf32, #tpu.memory_space<vmem>>, %arg3: memref<1x1024x128xf32, #tpu.memory_space<vmem>>, %arg4: memref<1x1x1xf32, #tpu.memory_space<vmem>>) attributes {dimension_semantics = [#tpu.dimension_semantics<arbitrary>], iteration_bounds = array<i64: 4>, scalar_prefetch = 0 : i64, scratch_operands = 0 : i64, tpu.core_type = #tpu.core_type<tc>, window_params = [{transform_indices = @transform_0, window_bounds = array<i64: 1, 1024, 128>}, {transform_indices = @transform_1, window_bounds = array<i64: 1, 1024, 128>}, {transform_indices = @transform_2, window_bounds = array<i64: 1, 1024, 128>}, {transform_indices = @transform_3, window_bounds = array<i64: 1, 1, 1>}]} {
    %get3A = arith.constant 0 : index
    %get3A_0 = arith.constant 0 : index
    %get3A_1 = arith.constant 0 : index
    %get3A_2 = vector.load %arg1[%get3A, %get3A_0, %get3A_1] : memref<1x1024x128xf32, #tpu.memory_space<vmem>>, vector<1x1024x128xf32>
    %get3A_3 = vector.shape_cast %get3A_2 : vector<1x1024x128xf32> to vector<1024x128xf32>
    %get3A_4 = arith.constant 0 : index
    %get3A_5 = arith.constant 0 : index
    %get3A_6 = arith.constant 0 : index
    %get3A_7 = vector.load %arg2[%get3A_4, %get3A_5, %get3A_6] : memref<1x1024x128xf32, #tpu.memory_space<vmem>>, vector<1x1024x128xf32>
    %get3A_8 = vector.shape_cast %get3A_7 : vector<1x1024x128xf32> to vector<1024x128xf32>
    %mul3A = arith.mulf %get3A_3, %get3A_3 : vector<1024x128xf32>
    %reduce_sum3A = arith.constant dense<0.000000e+00> : vector<1024xf32>
    %reduce_sum3A_9 = vector.multi_reduction <add>, %mul3A, %reduce_sum3A [1] : vector<1024x128xf32> to vector<1024xf32>
    %broadcast_in_dim3A = vector.shape_cast %reduce_sum3A_9 : vector<1024xf32> to vector<1024x1xf32>
    %sqrt3A = math.sqrt %broadcast_in_dim3A : vector<1024x1xf32>
    %max3A = arith.constant 9.99999996E-13 : f32
    %max3A_10 = vector.broadcast %max3A : f32 to vector<1024x1xf32>
    %max3A_11 = arith.maximumf %sqrt3A, %max3A_10 : vector<1024x1xf32>
    %div3A = vector.broadcast %max3A_11 : vector<1024x1xf32> to vector<1024x128xf32>
    %div3A_12 = arith.divf %get3A_3, %div3A : vector<1024x128xf32>
    %mul3A_13 = arith.mulf %get3A_8, %get3A_8 : vector<1024x128xf32>
    %reduce_sum3A_14 = arith.constant dense<0.000000e+00> : vector<1024xf32>
    %reduce_sum3A_15 = vector.multi_reduction <add>, %mul3A_13, %reduce_sum3A_14 [1] : vector<1024x128xf32> to vector<1024xf32>
    %broadcast_in_dim3A_16 = vector.shape_cast %reduce_sum3A_15 : vector<1024xf32> to vector<1024x1xf32>
    %sqrt3A_17 = math.sqrt %broadcast_in_dim3A_16 : vector<1024x1xf32>
    %max3A_18 = arith.constant 9.99999996E-13 : f32
    %max3A_19 = vector.broadcast %max3A_18 : f32 to vector<1024x1xf32>
    %max3A_20 = arith.maximumf %sqrt3A_17, %max3A_19 : vector<1024x1xf32>
    %div3A_21 = vector.broadcast %max3A_20 : vector<1024x1xf32> to vector<1024x128xf32>
    %div3A_22 = arith.divf %get3A_8, %div3A_21 : vector<1024x128xf32>
    %dot_general3A = arith.constant dense<0.000000e+00> : vector<1024x1024xf32>
    %dot_general3A_23 = tpu.matmul %div3A_12, %div3A_12, %dot_general3A {dimension_numbers = #tpu.dot_dimension_numbers<[1], [1], [0], [0], [0, 0, 1, 0], [], []>, precision = #tpu.contract_precision<fp32>, transpose_lhs_hint = false} : vector<1024x128xf32>, vector<1024x128xf32>, vector<1024x1024xf32> -> vector<1024x1024xf32>
    %mul3A_24 = arith.constant 2.000000e+00 : f32
    %mul3A_25 = vector.broadcast %mul3A_24 : f32 to vector<1024x1024xf32>
    %mul3A_26 = arith.mulf %dot_general3A_23, %mul3A_25 : vector<1024x1024xf32>
    %dot_general3A_27 = arith.constant dense<0.000000e+00> : vector<1024x1024xf32>
    %dot_general3A_28 = tpu.matmul %div3A_22, %div3A_22, %dot_general3A_27 {dimension_numbers = #tpu.dot_dimension_numbers<[1], [1], [0], [0], [0, 0, 1, 0], [], []>, precision = #tpu.contract_precision<fp32>, transpose_lhs_hint = false} : vector<1024x128xf32>, vector<1024x128xf32>, vector<1024x1024xf32> -> vector<1024x1024xf32>
    %mul3A_29 = arith.constant 2.000000e+00 : f32
    %mul3A_30 = vector.broadcast %mul3A_29 : f32 to vector<1024x1024xf32>
    %mul3A_31 = arith.mulf %dot_general3A_28, %mul3A_30 : vector<1024x1024xf32>
    %reduce_max3A = arith.constant dense<0xFF800000> : vector<1024xf32>
    %reduce_max3A_32 = vector.multi_reduction <maximumf>, %mul3A_26, %reduce_max3A [1] : vector<1024x1024xf32> to vector<1024xf32>
    %broadcast_in_dim3A_33 = vector.shape_cast %reduce_max3A_32 : vector<1024xf32> to vector<1024x1xf32>
    %sub3A = vector.broadcast %broadcast_in_dim3A_33 : vector<1024x1xf32> to vector<1024x1024xf32>
    %sub3A_34 = arith.subf %mul3A_26, %sub3A : vector<1024x1024xf32>
    %exp3A = math.exp %sub3A_34 : vector<1024x1024xf32>
    %reduce_sum3A_35 = arith.constant dense<0.000000e+00> : vector<1024xf32>
    %reduce_sum3A_36 = vector.multi_reduction <add>, %exp3A, %reduce_sum3A_35 [1] : vector<1024x1024xf32> to vector<1024xf32>
    %broadcast_in_dim3A_37 = vector.shape_cast %reduce_sum3A_36 : vector<1024xf32> to vector<1024x1xf32>
    %log3A = math.log %broadcast_in_dim3A_37 : vector<1024x1xf32>
    %add3A = arith.addf %log3A, %broadcast_in_dim3A_33 : vector<1024x1xf32>
    %sub3A_38 = vector.broadcast %add3A : vector<1024x1xf32> to vector<1024x1024xf32>
    %sub3A_39 = arith.subf %mul3A_26, %sub3A_38 : vector<1024x1024xf32>
    %reduce_max3A_40 = arith.constant dense<0xFF800000> : vector<1024xf32>
    %reduce_max3A_41 = vector.multi_reduction <maximumf>, %mul3A_31, %reduce_max3A_40 [1] : vector<1024x1024xf32> to vector<1024xf32>
    %broadcast_in_dim3A_42 = vector.shape_cast %reduce_max3A_41 : vector<1024xf32> to vector<1024x1xf32>
    %sub3A_43 = vector.broadcast %broadcast_in_dim3A_42 : vector<1024x1xf32> to vector<1024x1024xf32>
    %sub3A_44 = arith.subf %mul3A_31, %sub3A_43 : vector<1024x1024xf32>
    %exp3A_45 = math.exp %sub3A_44 : vector<1024x1024xf32>
    %reduce_sum3A_46 = arith.constant dense<0.000000e+00> : vector<1024xf32>
    %reduce_sum3A_47 = vector.multi_reduction <add>, %exp3A_45, %reduce_sum3A_46 [1] : vector<1024x1024xf32> to vector<1024xf32>
    %broadcast_in_dim3A_48 = vector.shape_cast %reduce_sum3A_47 : vector<1024xf32> to vector<1024x1xf32>
    %log3A_49 = math.log %broadcast_in_dim3A_48 : vector<1024x1xf32>
    %add3A_50 = arith.addf %log3A_49, %broadcast_in_dim3A_42 : vector<1024x1xf32>
    %sub3A_51 = vector.broadcast %add3A_50 : vector<1024x1xf32> to vector<1024x1024xf32>
    %sub3A_52 = arith.subf %mul3A_31, %sub3A_51 : vector<1024x1024xf32>
    %exp3A_53 = math.exp %sub3A_39 : vector<1024x1024xf32>
    %exp3A_54 = math.exp %sub3A_52 : vector<1024x1024xf32>
    %sub3A_55 = arith.subf %sub3A_52, %sub3A_39 : vector<1024x1024xf32>
    %mul3A_56 = arith.mulf %exp3A_54, %sub3A_55 : vector<1024x1024xf32>
    %reduce_sum3A_57 = vector.shape_cast %mul3A_56 : vector<1024x1024xf32> to vector<1x1024x1024xf32>
    %reduce_sum3A_58 = arith.constant dense<0.000000e+00> : vector<1xf32>
    %reduce_sum3A_59 = vector.multi_reduction <add>, %reduce_sum3A_57, %reduce_sum3A_58 [1, 2] : vector<1x1024x1024xf32> to vector<1xf32>
    %reduce_sum3A_60 = vector.shape_cast %reduce_sum3A_59 : vector<1xf32> to vector<1x1x1xf32>
    %reduce_sum3A_61 = vector.extract %reduce_sum3A_60[0, 0, 0] : f32 from vector<1x1x1xf32>
    %div3A_62 = arith.constant 1.024000e+03 : f32
    %div3A_63 = arith.divf %reduce_sum3A_61, %div3A_62 : f32
    %sub3A_64 = arith.subf %sub3A_39, %sub3A_52 : vector<1024x1024xf32>
    %mul3A_65 = arith.mulf %exp3A_53, %sub3A_64 : vector<1024x1024xf32>
    %reduce_sum3A_66 = vector.shape_cast %mul3A_65 : vector<1024x1024xf32> to vector<1x1024x1024xf32>
    %reduce_sum3A_67 = arith.constant dense<0.000000e+00> : vector<1xf32>
    %reduce_sum3A_68 = vector.multi_reduction <add>, %reduce_sum3A_66, %reduce_sum3A_67 [1, 2] : vector<1x1024x1024xf32> to vector<1xf32>
    %reduce_sum3A_69 = vector.shape_cast %reduce_sum3A_68 : vector<1xf32> to vector<1x1x1xf32>
    %reduce_sum3A_70 = vector.extract %reduce_sum3A_69[0, 0, 0] : f32 from vector<1x1x1xf32>
    %div3A_71 = arith.constant 1.024000e+03 : f32
    %div3A_72 = arith.divf %reduce_sum3A_70, %div3A_71 : f32
    %add3A_73 = arith.addf %div3A_63, %div3A_72 : f32
    %mul3A_74 = arith.constant 5.000000e-01 : f32
    %mul3A_75 = arith.mulf %mul3A_74, %add3A_73 : f32
    %broadcast_in_dim3A_76 = vector.broadcast %mul3A_75 : f32 to vector<1x1x1xf32>
    %swap3A = arith.constant 0 : index
    %swap3A_77 = arith.constant 0 : index
    %swap3A_78 = arith.constant 0 : index
    %swap3A_79 = vector.load %arg4[%swap3A, %swap3A_77, %swap3A_78] : memref<1x1x1xf32, #tpu.memory_space<vmem>>, vector<1x1x1xf32>
    tpu.vector_store %arg4[%swap3A, %swap3A_77, %swap3A_78], %broadcast_in_dim3A_76 {strides = array<i32>} : memref<1x1x1xf32, #tpu.memory_space<vmem>>, vector<1x1x1xf32>,
    %sub3A_80 = arith.subf %div3A_22, %div3A_12 : vector<1024x128xf32>
    %mul3A_81 = arith.constant 1.000000e-01 : f32
    %mul3A_82 = vector.broadcast %mul3A_81 : f32 to vector<1024x128xf32>
    %mul3A_83 = arith.mulf %sub3A_80, %mul3A_82 : vector<1024x128xf32>
    %add3A_84 = arith.addf %div3A_12, %mul3A_83 : vector<1024x128xf32>
    %swap3A_85 = arith.constant 0 : index
    %swap3A_86 = arith.constant 0 : index
    %swap3A_87 = arith.constant 0 : index
    %swap3A_88 = vector.load %arg3[%swap3A_85, %swap3A_86, %swap3A_87] : memref<1x1024x128xf32, #tpu.memory_space<vmem>>, vector<1x1024x128xf32>
    %swap3A_89 = vector.shape_cast %swap3A_88 : vector<1x1024x128xf32> to vector<1024x128xf32>
    %swap3A_90 = vector.shape_cast %add3A_84 : vector<1024x128xf32> to vector<1x1024x128xf32>
    tpu.vector_store %arg3[%swap3A_85, %swap3A_86, %swap3A_87], %swap3A_90 {strides = array<i32>} : memref<1x1024x128xf32, #tpu.memory_space<vmem>>, vector<1x1024x128xf32>,
    return
  }
  func.func @transform_0(%arg0: i32) -> (i32, i32, i32) {
    %c0_i32 = arith.constant 0 : i32
    %c0_i32_0 = arith.constant 0 : i32
    %c0_i32_1 = arith.constant 0 : i32
    return %arg0, %c0_i32, %c0_i32_0 : i32, i32, i32
  }
  func.func @transform_1(%arg0: i32) -> (i32, i32, i32) {
    %c0_i32 = arith.constant 0 : i32
    %c0_i32_0 = arith.constant 0 : i32
    %c0_i32_1 = arith.constant 0 : i32
    return %arg0, %c0_i32, %c0_i32_0 : i32, i32, i32
  }
  func.func @transform_2(%arg0: i32) -> (i32, i32, i32) {
    %c0_i32 = arith.constant 0 : i32
    %c0_i32_0 = arith.constant 0 : i32
    %c0_i32_1 = arith.constant 0 : i32
    return %arg0, %c0_i32, %c0_i32_0 : i32, i32, i32
  }
  func.func @transform_3(%arg0: i32) -> (i32, i32, i32) {
    %c0_i32 = arith.constant 0 : i32
    %c0_i32_0 = arith.constant 0 : i32
    %c0_i32_1 = arith.constant 0 : i32
    return %arg0, %c0_i32, %c0_i32_0 : i32, i32, i32
  }
}

module attributes {stable_mosaic.version = 14 : i64} {
  func.func @_knn_body(%arg0: i32, %arg1: i32, %arg2: memref<1x256x128xf32, #tpu.memory_space<vmem>>, %arg3: memref<1x8192x128xf32, #tpu.memory_space<vmem>>, %arg4: memref<1x1x256xf32, #tpu.memory_space<vmem>>, %arg5: memref<1x256x128xi32, #tpu.memory_space<vmem>>, %arg6: memref<1x1x256xf32, #tpu.memory_space<vmem>>) attributes {dimension_semantics = [#tpu.dimension_semantics<arbitrary>, #tpu.dimension_semantics<arbitrary>], iteration_bounds = array<i64: 4, 4>, scalar_prefetch = 0 : i64, scratch_operands = 0 : i64, tpu.core_type = #tpu.core_type<tc>, window_params = [{transform_indices = @transform_0, window_bounds = array<i64: 1, 256, 128>}, {transform_indices = @transform_1, window_bounds = array<i64: 1, 8192, 128>}, {transform_indices = @transform_2, window_bounds = array<i64: 1, 1, 256>}, {transform_indices = @transform_3, window_bounds = array<i64: 1, 256, 128>}, {transform_indices = @transform_4, window_bounds = array<i64: 1, 1, 256>}]} {
    %get3A = arith.constant 0 : index
    %get3A_0 = arith.constant 0 : index
    %get3A_1 = arith.constant 0 : index
    %get3A_2 = vector.load %arg2[%get3A, %get3A_0, %get3A_1] : memref<1x256x128xf32, #tpu.memory_space<vmem>>, vector<1x256x128xf32>
    %get3A_3 = vector.shape_cast %get3A_2 : vector<1x256x128xf32> to vector<256x128xf32>
    %get3A_4 = arith.constant 0 : index
    %get3A_5 = arith.constant 0 : index
    %get3A_6 = arith.constant 0 : index
    %get3A_7 = vector.load %arg3[%get3A_4, %get3A_5, %get3A_6] : memref<1x8192x128xf32, #tpu.memory_space<vmem>>, vector<1x8192x128xf32>
    %get3A_8 = vector.shape_cast %get3A_7 : vector<1x8192x128xf32> to vector<8192x128xf32>
    %get3A_9 = arith.constant 0 : index
    %get3A_10 = arith.constant 0 : index
    %get3A_11 = arith.constant 0 : index
    %get3A_12 = vector.load %arg4[%get3A_9, %get3A_10, %get3A_11] : memref<1x1x256xf32, #tpu.memory_space<vmem>>, vector<1x1x256xf32>
    %get3A_13 = vector.shape_cast %get3A_12 : vector<1x1x256xf32> to vector<256xf32>
    %broadcast_in_dim3A = vector.shape_cast %get3A_13 : vector<256xf32> to vector<256x1xf32>
    %mul3A = arith.mulf %get3A_3, %get3A_3 : vector<256x128xf32>
    %reduce_sum3A = arith.constant dense<0.000000e+00> : vector<256xf32>
    %reduce_sum3A_14 = vector.multi_reduction <add>, %mul3A, %reduce_sum3A [1] : vector<256x128xf32> to vector<256xf32>
    %broadcast_in_dim3A_15 = vector.shape_cast %reduce_sum3A_14 : vector<256xf32> to vector<256x1xf32>
    %broadcast_in_dim3A_16 = arith.constant 1.000000e+00 : f32
    %broadcast_in_dim3A_17 = vector.broadcast %broadcast_in_dim3A_16 : f32 to vector<1x128xf32>
    %mul3A_18 = arith.mulf %get3A_8, %get3A_8 : vector<8192x128xf32>
    %dot_general3A = arith.constant dense<0.000000e+00> : vector<1x8192xf32>
    %dot_general3A_19 = tpu.matmul %broadcast_in_dim3A_17, %mul3A_18, %dot_general3A {dimension_numbers = #tpu.dot_dimension_numbers<[1], [1], [0], [0], [0, 0, 1, 0], [], []>, precision = #tpu.contract_precision<fp32>, transpose_lhs_hint = false} : vector<1x128xf32>, vector<8192x128xf32>, vector<1x8192xf32> -> vector<1x8192xf32>
    %dot_general3A_20 = arith.constant dense<0.000000e+00> : vector<256x8192xf32>
    %dot_general3A_21 = tpu.matmul %get3A_3, %get3A_8, %dot_general3A_20 {dimension_numbers = #tpu.dot_dimension_numbers<[1], [1], [0], [0], [0, 0, 1, 0], [], []>, transpose_lhs_hint = false} : vector<256x128xf32>, vector<8192x128xf32>, vector<256x8192xf32> -> vector<256x8192xf32>
    %iota3A = tpu.iota {dimensions = array<i32: 1>} : vector<256x8192xi32>
    %convert_element_type3A = arith.sitofp %iota3A : vector<256x8192xi32> to vector<256x8192xf32>
    %eq3A = vector.broadcast %broadcast_in_dim3A : vector<256x1xf32> to vector<256x8192xf32>
    %eq3A_22 = arith.cmpf oeq, %convert_element_type3A, %eq3A : vector<256x8192xf32>
    %add3A = vector.broadcast %broadcast_in_dim3A_15 : vector<256x1xf32> to vector<256x8192xf32>
    %add3A_23 = vector.broadcast %dot_general3A_19 : vector<1x8192xf32> to vector<256x8192xf32>
    %add3A_24 = arith.addf %add3A, %add3A_23 : vector<256x8192xf32>
    %mul3A_25 = arith.constant 2.000000e+00 : f32
    %mul3A_26 = vector.broadcast %mul3A_25 : f32 to vector<256x8192xf32>
    %mul3A_27 = arith.mulf %mul3A_26, %dot_general3A_21 : vector<256x8192xf32>
    %sub3A = arith.subf %add3A_24, %mul3A_27 : vector<256x8192xf32>
    %jit3A = arith.constant 0x7F800000 : f32
    %broadcast_in_dim3A_28 = vector.broadcast %jit3A : f32 to vector<256x8192xf32>
    %select_n3A = arith.select %eq3A_22, %broadcast_in_dim3A_28, %sub3A : vector<256x8192xi1>, vector<256x8192xf32>
    %mul3A_29 = arith.constant -1.000000e+01 : f32
    %mul3A_30 = vector.broadcast %mul3A_29 : f32 to vector<256x8192xf32>
    %mul3A_31 = arith.mulf %mul3A_30, %select_n3A : vector<256x8192xf32>
    %exp3A = math.exp %mul3A_31 : vector<256x8192xf32>
    %reduce_sum3A_32 = arith.constant dense<0.000000e+00> : vector<256xf32>
    %reduce_sum3A_33 = vector.multi_reduction <add>, %exp3A, %reduce_sum3A_32 [1] : vector<256x8192xf32> to vector<256xf32>
    %log3A = math.log %reduce_sum3A_33 : vector<256xf32>
    %slice3A = vector.extract_strided_slice %select_n3A {offsets = [0, 0], sizes = [256, 4096], strides = [1, 1]} : vector<256x8192xf32> to vector<256x4096xf32>
    %slice3A_34 = vector.extract_strided_slice %select_n3A {offsets = [0, 4096], sizes = [256, 4096], strides = [1, 1]} : vector<256x8192xf32> to vector<256x4096xf32>
    %slice3A_35 = vector.extract_strided_slice %convert_element_type3A {offsets = [0, 0], sizes = [256, 4096], strides = [1, 1]} : vector<256x8192xf32> to vector<256x4096xf32>
    %slice3A_36 = vector.extract_strided_slice %convert_element_type3A {offsets = [0, 4096], sizes = [256, 4096], strides = [1, 1]} : vector<256x8192xf32> to vector<256x4096xf32>
    %lt3A = arith.cmpf olt, %slice3A_34, %slice3A : vector<256x4096xf32>
    %select_n3A_37 = arith.select %lt3A, %slice3A_34, %slice3A : vector<256x4096xi1>, vector<256x4096xf32>
    %select_n3A_38 = arith.select %lt3A, %slice3A, %slice3A_34 : vector<256x4096xi1>, vector<256x4096xf32>
    %select_n3A_39 = arith.select %lt3A, %slice3A_36, %slice3A_35 : vector<256x4096xi1>, vector<256x4096xf32>
    %select_n3A_40 = arith.select %lt3A, %slice3A_35, %slice3A_36 : vector<256x4096xi1>, vector<256x4096xf32>
    %broadcast_in_dim3A_41 = arith.constant 0.000000e+00 : f32
    %broadcast_in_dim3A_42 = vector.broadcast %broadcast_in_dim3A_41 : f32 to vector<256x1xf32>
    %broadcast_in_dim3A_43 = arith.constant 0 : i32
    %broadcast_in_dim3A_44 = vector.broadcast %broadcast_in_dim3A_43 : i32 to vector<256x128xi32>
    %iota3A_45 = tpu.iota {dimensions = array<i32: 1>} : vector<256x128xi32>
    %reduce_min3A = arith.constant dense<0x7F800000> : vector<256xf32>
    %reduce_min3A_46 = vector.multi_reduction <minimumf>, %select_n3A_37, %reduce_min3A [1] : vector<256x4096xf32> to vector<256xf32>
    %broadcast_in_dim3A_47 = vector.shape_cast %reduce_min3A_46 : vector<256xf32> to vector<256x1xf32>
    %eq3A_48 = vector.broadcast %broadcast_in_dim3A_47 : vector<256x1xf32> to vector<256x4096xf32>
    %eq3A_49 = arith.cmpf oeq, %select_n3A_37, %eq3A_48 : vector<256x4096xf32>
    %jit3A_50 = arith.constant 0x7F800000 : f32
    %broadcast_in_dim3A_51 = vector.broadcast %jit3A_50 : f32 to vector<256x4096xf32>
    %select_n3A_52 = arith.select %eq3A_49, %select_n3A_39, %broadcast_in_dim3A_51 : vector<256x4096xi1>, vector<256x4096xf32>
    %reduce_min3A_53 = arith.constant dense<0x7F800000> : vector<256xf32>
    %reduce_min3A_54 = vector.multi_reduction <minimumf>, %select_n3A_52, %reduce_min3A_53 [1] : vector<256x4096xf32> to vector<256xf32>
    %broadcast_in_dim3A_55 = vector.shape_cast %reduce_min3A_54 : vector<256xf32> to vector<256x1xf32>
    %mul3A_56 = arith.constant -1.000000e+01 : f32
    %mul3A_57 = vector.broadcast %mul3A_56 : f32 to vector<256x1xf32>
    %mul3A_58 = arith.mulf %mul3A_57, %broadcast_in_dim3A_47 : vector<256x1xf32>
    %exp3A_59 = math.exp %mul3A_58 : vector<256x1xf32>
    %add3A_60 = arith.addf %broadcast_in_dim3A_42, %exp3A_59 : vector<256x1xf32>
    %gt3A = arith.cmpf ogt, %broadcast_in_dim3A_55, %broadcast_in_dim3A : vector<256x1xf32>
    %sub3A_61 = arith.constant 1.000000e+00 : f32
    %sub3A_62 = vector.broadcast %sub3A_61 : f32 to vector<256x1xf32>
    %sub3A_63 = arith.subf %broadcast_in_dim3A_55, %sub3A_62 : vector<256x1xf32>
    %select_n3A_64 = arith.select %gt3A, %sub3A_63, %broadcast_in_dim3A_55 : vector<256x1xi1>, vector<256x1xf32>
    %eq3A_65 = arith.constant 0 : i32
    %eq3A_66 = vector.broadcast %eq3A_65 : i32 to vector<256x128xi32>
    %eq3A_67 = arith.cmpi eq, %iota3A_45, %eq3A_66 : vector<256x128xi32>
    %convert_element_type3A_68 = arith.fptosi %select_n3A_64 : vector<256x1xf32> to vector<256x1xi32>
    %broadcast_in_dim3A_69 = vector.shape_cast %convert_element_type3A_68 : vector<256x1xi32> to vector<256x1xi32>
    %broadcast_in_dim3A_70 = vector.broadcast %broadcast_in_dim3A_69 : vector<256x1xi32> to vector<256x128xi32>
    %select_n3A_71 = arith.select %eq3A_67, %broadcast_in_dim3A_70, %broadcast_in_dim3A_44 : vector<256x128xi1>, vector<256x128xi32>
    %eq3A_72 = vector.broadcast %broadcast_in_dim3A_55 : vector<256x1xf32> to vector<256x4096xf32>
    %eq3A_73 = arith.cmpf oeq, %select_n3A_39, %eq3A_72 : vector<256x4096xf32>
    %select_n3A_74 = arith.select %eq3A_73, %select_n3A_38, %select_n3A_37 : vector<256x4096xi1>, vector<256x4096xf32>
    %select_n3A_75 = arith.select %eq3A_73, %select_n3A_40, %select_n3A_39 : vector<256x4096xi1>, vector<256x4096xf32>
    %jit3A_76 = arith.constant 0x7F800000 : f32
    %broadcast_in_dim3A_77 = vector.broadcast %jit3A_76 : f32 to vector<256x4096xf32>
    %select_n3A_78 = arith.select %eq3A_73, %broadcast_in_dim3A_77, %select_n3A_38 : vector<256x4096xi1>, vector<256x4096xf32>
    %reduce_min3A_79 = arith.constant dense<0x7F800000> : vector<256xf32>
    %reduce_min3A_80 = vector.multi_reduction <minimumf>, %select_n3A_74, %reduce_min3A_79 [1] : vector<256x4096xf32> to vector<256xf32>
    %broadcast_in_dim3A_81 = vector.shape_cast %reduce_min3A_80 : vector<256xf32> to vector<256x1xf32>
    %eq3A_82 = vector.broadcast %broadcast_in_dim3A_81 : vector<256x1xf32> to vector<256x4096xf32>
    %eq3A_83 = arith.cmpf oeq, %select_n3A_74, %eq3A_82 : vector<256x4096xf32>
    %jit3A_84 = arith.constant 0x7F800000 : f32
    %broadcast_in_dim3A_85 = vector.broadcast %jit3A_84 : f32 to vector<256x4096xf32>
    %select_n3A_86 = arith.select %eq3A_83, %select_n3A_75, %broadcast_in_dim3A_85 : vector<256x4096xi1>, vector<256x4096xf32>
    %reduce_min3A_87 = arith.constant dense<0x7F800000> : vector<256xf32>
    %reduce_min3A_88 = vector.multi_reduction <minimumf>, %select_n3A_86, %reduce_min3A_87 [1] : vector<256x4096xf32> to vector<256xf32>
    %broadcast_in_dim3A_89 = vector.shape_cast %reduce_min3A_88 : vector<256xf32> to vector<256x1xf32>
    %mul3A_90 = arith.constant -1.000000e+01 : f32
    %mul3A_91 = vector.broadcast %mul3A_90 : f32 to vector<256x1xf32>
    %mul3A_92 = arith.mulf %mul3A_91, %broadcast_in_dim3A_81 : vector<256x1xf32>
    %exp3A_93 = math.exp %mul3A_92 : vector<256x1xf32>
    %add3A_94 = arith.addf %add3A_60, %exp3A_93 : vector<256x1xf32>
    %gt3A_95 = arith.cmpf ogt, %broadcast_in_dim3A_89, %broadcast_in_dim3A : vector<256x1xf32>
    %sub3A_96 = arith.constant 1.000000e+00 : f32
    %sub3A_97 = vector.broadcast %sub3A_96 : f32 to vector<256x1xf32>
    %sub3A_98 = arith.subf %broadcast_in_dim3A_89, %sub3A_97 : vector<256x1xf32>
    %select_n3A_99 = arith.select %gt3A_95, %sub3A_98, %broadcast_in_dim3A_89 : vector<256x1xi1>, vector<256x1xf32>
    %eq3A_100 = arith.constant 1 : i32
    %eq3A_101 = vector.broadcast %eq3A_100 : i32 to vector<256x128xi32>
    %eq3A_102 = arith.cmpi eq, %iota3A_45, %eq3A_101 : vector<256x128xi32>
    %convert_element_type3A_103 = arith.fptosi %select_n3A_99 : vector<256x1xf32> to vector<256x1xi32>
    %broadcast_in_dim3A_104 = vector.shape_cast %convert_element_type3A_103 : vector<256x1xi32> to vector<256x1xi32>
    %broadcast_in_dim3A_105 = vector.broadcast %broadcast_in_dim3A_104 : vector<256x1xi32> to vector<256x128xi32>
    %select_n3A_106 = arith.select %eq3A_102, %broadcast_in_dim3A_105, %select_n3A_71 : vector<256x128xi1>, vector<256x128xi32>
    %eq3A_107 = vector.broadcast %broadcast_in_dim3A_89 : vector<256x1xf32> to vector<256x4096xf32>
    %eq3A_108 = arith.cmpf oeq, %select_n3A_75, %eq3A_107 : vector<256x4096xf32>
    %select_n3A_109 = arith.select %eq3A_108, %select_n3A_78, %select_n3A_74 : vector<256x4096xi1>, vector<256x4096xf32>
    %select_n3A_110 = arith.select %eq3A_108, %select_n3A_40, %select_n3A_75 : vector<256x4096xi1>, vector<256x4096xf32>
    %jit3A_111 = arith.constant 0x7F800000 : f32
    %broadcast_in_dim3A_112 = vector.broadcast %jit3A_111 : f32 to vector<256x4096xf32>
    %select_n3A_113 = arith.select %eq3A_108, %broadcast_in_dim3A_112, %select_n3A_78 : vector<256x4096xi1>, vector<256x4096xf32>
    %reduce_min3A_114 = arith.constant dense<0x7F800000> : vector<256xf32>
    %reduce_min3A_115 = vector.multi_reduction <minimumf>, %select_n3A_109, %reduce_min3A_114 [1] : vector<256x4096xf32> to vector<256xf32>
    %broadcast_in_dim3A_116 = vector.shape_cast %reduce_min3A_115 : vector<256xf32> to vector<256x1xf32>
    %eq3A_117 = vector.broadcast %broadcast_in_dim3A_116 : vector<256x1xf32> to vector<256x4096xf32>
    %eq3A_118 = arith.cmpf oeq, %select_n3A_109, %eq3A_117 : vector<256x4096xf32>
    %jit3A_119 = arith.constant 0x7F800000 : f32
    %broadcast_in_dim3A_120 = vector.broadcast %jit3A_119 : f32 to vector<256x4096xf32>
    %select_n3A_121 = arith.select %eq3A_118, %select_n3A_110, %broadcast_in_dim3A_120 : vector<256x4096xi1>, vector<256x4096xf32>
    %reduce_min3A_122 = arith.constant dense<0x7F800000> : vector<256xf32>
    %reduce_min3A_123 = vector.multi_reduction <minimumf>, %select_n3A_121, %reduce_min3A_122 [1] : vector<256x4096xf32> to vector<256xf32>
    %broadcast_in_dim3A_124 = vector.shape_cast %reduce_min3A_123 : vector<256xf32> to vector<256x1xf32>
    %mul3A_125 = arith.constant -1.000000e+01 : f32
    %mul3A_126 = vector.broadcast %mul3A_125 : f32 to vector<256x1xf32>
    %mul3A_127 = arith.mulf %mul3A_126, %broadcast_in_dim3A_116 : vector<256x1xf32>
    %exp3A_128 = math.exp %mul3A_127 : vector<256x1xf32>
    %add3A_129 = arith.addf %add3A_94, %exp3A_128 : vector<256x1xf32>
    %gt3A_130 = arith.cmpf ogt, %broadcast_in_dim3A_124, %broadcast_in_dim3A : vector<256x1xf32>
    %sub3A_131 = arith.constant 1.000000e+00 : f32
    %sub3A_132 = vector.broadcast %sub3A_131 : f32 to vector<256x1xf32>
    %sub3A_133 = arith.subf %broadcast_in_dim3A_124, %sub3A_132 : vector<256x1xf32>
    %select_n3A_134 = arith.select %gt3A_130, %sub3A_133, %broadcast_in_dim3A_124 : vector<256x1xi1>, vector<256x1xf32>
    %eq3A_135 = arith.constant 2 : i32
    %eq3A_136 = vector.broadcast %eq3A_135 : i32 to vector<256x128xi32>
    %eq3A_137 = arith.cmpi eq, %iota3A_45, %eq3A_136 : vector<256x128xi32>
    %convert_element_type3A_138 = arith.fptosi %select_n3A_134 : vector<256x1xf32> to vector<256x1xi32>
    %broadcast_in_dim3A_139 = vector.shape_cast %convert_element_type3A_138 : vector<256x1xi32> to vector<256x1xi32>
    %broadcast_in_dim3A_140 = vector.broadcast %broadcast_in_dim3A_139 : vector<256x1xi32> to vector<256x128xi32>
    %select_n3A_141 = arith.select %eq3A_137, %broadcast_in_dim3A_140, %select_n3A_106 : vector<256x128xi1>, vector<256x128xi32>
    %eq3A_142 = vector.broadcast %broadcast_in_dim3A_124 : vector<256x1xf32> to vector<256x4096xf32>
    %eq3A_143 = arith.cmpf oeq, %select_n3A_110, %eq3A_142 : vector<256x4096xf32>
    %select_n3A_144 = arith.select %eq3A_143, %select_n3A_113, %select_n3A_109 : vector<256x4096xi1>, vector<256x4096xf32>
    %select_n3A_145 = arith.select %eq3A_143, %select_n3A_40, %select_n3A_110 : vector<256x4096xi1>, vector<256x4096xf32>
    %jit3A_146 = arith.constant 0x7F800000 : f32
    %broadcast_in_dim3A_147 = vector.broadcast %jit3A_146 : f32 to vector<256x4096xf32>
    %select_n3A_148 = arith.select %eq3A_143, %broadcast_in_dim3A_147, %select_n3A_113 : vector<256x4096xi1>, vector<256x4096xf32>
    %reduce_min3A_149 = arith.constant dense<0x7F800000> : vector<256xf32>
    %reduce_min3A_150 = vector.multi_reduction <minimumf>, %select_n3A_144, %reduce_min3A_149 [1] : vector<256x4096xf32> to vector<256xf32>
    %broadcast_in_dim3A_151 = vector.shape_cast %reduce_min3A_150 : vector<256xf32> to vector<256x1xf32>
    %eq3A_152 = vector.broadcast %broadcast_in_dim3A_151 : vector<256x1xf32> to vector<256x4096xf32>
    %eq3A_153 = arith.cmpf oeq, %select_n3A_144, %eq3A_152 : vector<256x4096xf32>
    %jit3A_154 = arith.constant 0x7F800000 : f32
    %broadcast_in_dim3A_155 = vector.broadcast %jit3A_154 : f32 to vector<256x4096xf32>
    %select_n3A_156 = arith.select %eq3A_153, %select_n3A_145, %broadcast_in_dim3A_155 : vector<256x4096xi1>, vector<256x4096xf32>
    %reduce_min3A_157 = arith.constant dense<0x7F800000> : vector<256xf32>
    %reduce_min3A_158 = vector.multi_reduction <minimumf>, %select_n3A_156, %reduce_min3A_157 [1] : vector<256x4096xf32> to vector<256xf32>
    %broadcast_in_dim3A_159 = vector.shape_cast %reduce_min3A_158 : vector<256xf32> to vector<256x1xf32>
    %mul3A_160 = arith.constant -1.000000e+01 : f32
    %mul3A_161 = vector.broadcast %mul3A_160 : f32 to vector<256x1xf32>
    %mul3A_162 = arith.mulf %mul3A_161, %broadcast_in_dim3A_151 : vector<256x1xf32>
    %exp3A_163 = math.exp %mul3A_162 : vector<256x1xf32>
    %add3A_164 = arith.addf %add3A_129, %exp3A_163 : vector<256x1xf32>
    %gt3A_165 = arith.cmpf ogt, %broadcast_in_dim3A_159, %broadcast_in_dim3A : vector<256x1xf32>
    %sub3A_166 = arith.constant 1.000000e+00 : f32
    %sub3A_167 = vector.broadcast %sub3A_166 : f32 to vector<256x1xf32>
    %sub3A_168 = arith.subf %broadcast_in_dim3A_159, %sub3A_167 : vector<256x1xf32>
    %select_n3A_169 = arith.select %gt3A_165, %sub3A_168, %broadcast_in_dim3A_159 : vector<256x1xi1>, vector<256x1xf32>
    %eq3A_170 = arith.constant 3 : i32
    %eq3A_171 = vector.broadcast %eq3A_170 : i32 to vector<256x128xi32>
    %eq3A_172 = arith.cmpi eq, %iota3A_45, %eq3A_171 : vector<256x128xi32>
    %convert_element_type3A_173 = arith.fptosi %select_n3A_169 : vector<256x1xf32> to vector<256x1xi32>
    %broadcast_in_dim3A_174 = vector.shape_cast %convert_element_type3A_173 : vector<256x1xi32> to vector<256x1xi32>
    %broadcast_in_dim3A_175 = vector.broadcast %broadcast_in_dim3A_174 : vector<256x1xi32> to vector<256x128xi32>
    %select_n3A_176 = arith.select %eq3A_172, %broadcast_in_dim3A_175, %select_n3A_141 : vector<256x128xi1>, vector<256x128xi32>
    %eq3A_177 = vector.broadcast %broadcast_in_dim3A_159 : vector<256x1xf32> to vector<256x4096xf32>
    %eq3A_178 = arith.cmpf oeq, %select_n3A_145, %eq3A_177 : vector<256x4096xf32>
    %select_n3A_179 = arith.select %eq3A_178, %select_n3A_148, %select_n3A_144 : vector<256x4096xi1>, vector<256x4096xf32>
    %select_n3A_180 = arith.select %eq3A_178, %select_n3A_40, %select_n3A_145 : vector<256x4096xi1>, vector<256x4096xf32>
    %jit3A_181 = arith.constant 0x7F800000 : f32
    %broadcast_in_dim3A_182 = vector.broadcast %jit3A_181 : f32 to vector<256x4096xf32>
    %select_n3A_183 = arith.select %eq3A_178, %broadcast_in_dim3A_182, %select_n3A_148 : vector<256x4096xi1>, vector<256x4096xf32>
    %reduce_min3A_184 = arith.constant dense<0x7F800000> : vector<256xf32>
    %reduce_min3A_185 = vector.multi_reduction <minimumf>, %select_n3A_179, %reduce_min3A_184 [1] : vector<256x4096xf32> to vector<256xf32>
    %broadcast_in_dim3A_186 = vector.shape_cast %reduce_min3A_185 : vector<256xf32> to vector<256x1xf32>
    %eq3A_187 = vector.broadcast %broadcast_in_dim3A_186 : vector<256x1xf32> to vector<256x4096xf32>
    %eq3A_188 = arith.cmpf oeq, %select_n3A_179, %eq3A_187 : vector<256x4096xf32>
    %jit3A_189 = arith.constant 0x7F800000 : f32
    %broadcast_in_dim3A_190 = vector.broadcast %jit3A_189 : f32 to vector<256x4096xf32>
    %select_n3A_191 = arith.select %eq3A_188, %select_n3A_180, %broadcast_in_dim3A_190 : vector<256x4096xi1>, vector<256x4096xf32>
    %reduce_min3A_192 = arith.constant dense<0x7F800000> : vector<256xf32>
    %reduce_min3A_193 = vector.multi_reduction <minimumf>, %select_n3A_191, %reduce_min3A_192 [1] : vector<256x4096xf32> to vector<256xf32>
    %broadcast_in_dim3A_194 = vector.shape_cast %reduce_min3A_193 : vector<256xf32> to vector<256x1xf32>
    %mul3A_195 = arith.constant -1.000000e+01 : f32
    %mul3A_196 = vector.broadcast %mul3A_195 : f32 to vector<256x1xf32>
    %mul3A_197 = arith.mulf %mul3A_196, %broadcast_in_dim3A_186 : vector<256x1xf32>
    %exp3A_198 = math.exp %mul3A_197 : vector<256x1xf32>
    %add3A_199 = arith.addf %add3A_164, %exp3A_198 : vector<256x1xf32>
    %gt3A_200 = arith.cmpf ogt, %broadcast_in_dim3A_194, %broadcast_in_dim3A : vector<256x1xf32>
    %sub3A_201 = arith.constant 1.000000e+00 : f32
    %sub3A_202 = vector.broadcast %sub3A_201 : f32 to vector<256x1xf32>
    %sub3A_203 = arith.subf %broadcast_in_dim3A_194, %sub3A_202 : vector<256x1xf32>
    %select_n3A_204 = arith.select %gt3A_200, %sub3A_203, %broadcast_in_dim3A_194 : vector<256x1xi1>, vector<256x1xf32>
    %eq3A_205 = arith.constant 4 : i32
    %eq3A_206 = vector.broadcast %eq3A_205 : i32 to vector<256x128xi32>
    %eq3A_207 = arith.cmpi eq, %iota3A_45, %eq3A_206 : vector<256x128xi32>
    %convert_element_type3A_208 = arith.fptosi %select_n3A_204 : vector<256x1xf32> to vector<256x1xi32>
    %broadcast_in_dim3A_209 = vector.shape_cast %convert_element_type3A_208 : vector<256x1xi32> to vector<256x1xi32>
    %broadcast_in_dim3A_210 = vector.broadcast %broadcast_in_dim3A_209 : vector<256x1xi32> to vector<256x128xi32>
    %select_n3A_211 = arith.select %eq3A_207, %broadcast_in_dim3A_210, %select_n3A_176 : vector<256x128xi1>, vector<256x128xi32>
    %eq3A_212 = vector.broadcast %broadcast_in_dim3A_194 : vector<256x1xf32> to vector<256x4096xf32>
    %eq3A_213 = arith.cmpf oeq, %select_n3A_180, %eq3A_212 : vector<256x4096xf32>
    %select_n3A_214 = arith.select %eq3A_213, %select_n3A_183, %select_n3A_179 : vector<256x4096xi1>, vector<256x4096xf32>
    %select_n3A_215 = arith.select %eq3A_213, %select_n3A_40, %select_n3A_180 : vector<256x4096xi1>, vector<256x4096xf32>
    %jit3A_216 = arith.constant 0x7F800000 : f32
    %broadcast_in_dim3A_217 = vector.broadcast %jit3A_216 : f32 to vector<256x4096xf32>
    %select_n3A_218 = arith.select %eq3A_213, %broadcast_in_dim3A_217, %select_n3A_183 : vector<256x4096xi1>, vector<256x4096xf32>
    %reduce_min3A_219 = arith.constant dense<0x7F800000> : vector<256xf32>
    %reduce_min3A_220 = vector.multi_reduction <minimumf>, %select_n3A_214, %reduce_min3A_219 [1] : vector<256x4096xf32> to vector<256xf32>
    %broadcast_in_dim3A_221 = vector.shape_cast %reduce_min3A_220 : vector<256xf32> to vector<256x1xf32>
    %eq3A_222 = vector.broadcast %broadcast_in_dim3A_221 : vector<256x1xf32> to vector<256x4096xf32>
    %eq3A_223 = arith.cmpf oeq, %select_n3A_214, %eq3A_222 : vector<256x4096xf32>
    %jit3A_224 = arith.constant 0x7F800000 : f32
    %broadcast_in_dim3A_225 = vector.broadcast %jit3A_224 : f32 to vector<256x4096xf32>
    %select_n3A_226 = arith.select %eq3A_223, %select_n3A_215, %broadcast_in_dim3A_225 : vector<256x4096xi1>, vector<256x4096xf32>
    %reduce_min3A_227 = arith.constant dense<0x7F800000> : vector<256xf32>
    %reduce_min3A_228 = vector.multi_reduction <minimumf>, %select_n3A_226, %reduce_min3A_227 [1] : vector<256x4096xf32> to vector<256xf32>
    %broadcast_in_dim3A_229 = vector.shape_cast %reduce_min3A_228 : vector<256xf32> to vector<256x1xf32>
    %mul3A_230 = arith.constant -1.000000e+01 : f32
    %mul3A_231 = vector.broadcast %mul3A_230 : f32 to vector<256x1xf32>
    %mul3A_232 = arith.mulf %mul3A_231, %broadcast_in_dim3A_221 : vector<256x1xf32>
    %exp3A_233 = math.exp %mul3A_232 : vector<256x1xf32>
    %add3A_234 = arith.addf %add3A_199, %exp3A_233 : vector<256x1xf32>
    %gt3A_235 = arith.cmpf ogt, %broadcast_in_dim3A_229, %broadcast_in_dim3A : vector<256x1xf32>
    %sub3A_236 = arith.constant 1.000000e+00 : f32
    %sub3A_237 = vector.broadcast %sub3A_236 : f32 to vector<256x1xf32>
    %sub3A_238 = arith.subf %broadcast_in_dim3A_229, %sub3A_237 : vector<256x1xf32>
    %select_n3A_239 = arith.select %gt3A_235, %sub3A_238, %broadcast_in_dim3A_229 : vector<256x1xi1>, vector<256x1xf32>
    %eq3A_240 = arith.constant 5 : i32
    %eq3A_241 = vector.broadcast %eq3A_240 : i32 to vector<256x128xi32>
    %eq3A_242 = arith.cmpi eq, %iota3A_45, %eq3A_241 : vector<256x128xi32>
    %convert_element_type3A_243 = arith.fptosi %select_n3A_239 : vector<256x1xf32> to vector<256x1xi32>
    %broadcast_in_dim3A_244 = vector.shape_cast %convert_element_type3A_243 : vector<256x1xi32> to vector<256x1xi32>
    %broadcast_in_dim3A_245 = vector.broadcast %broadcast_in_dim3A_244 : vector<256x1xi32> to vector<256x128xi32>
    %select_n3A_246 = arith.select %eq3A_242, %broadcast_in_dim3A_245, %select_n3A_211 : vector<256x128xi1>, vector<256x128xi32>
    %eq3A_247 = vector.broadcast %broadcast_in_dim3A_229 : vector<256x1xf32> to vector<256x4096xf32>
    %eq3A_248 = arith.cmpf oeq, %select_n3A_215, %eq3A_247 : vector<256x4096xf32>
    %select_n3A_249 = arith.select %eq3A_248, %select_n3A_218, %select_n3A_214 : vector<256x4096xi1>, vector<256x4096xf32>
    %select_n3A_250 = arith.select %eq3A_248, %select_n3A_40, %select_n3A_215 : vector<256x4096xi1>, vector<256x4096xf32>
    %jit3A_251 = arith.constant 0x7F800000 : f32
    %broadcast_in_dim3A_252 = vector.broadcast %jit3A_251 : f32 to vector<256x4096xf32>
    %select_n3A_253 = arith.select %eq3A_248, %broadcast_in_dim3A_252, %select_n3A_218 : vector<256x4096xi1>, vector<256x4096xf32>
    %reduce_min3A_254 = arith.constant dense<0x7F800000> : vector<256xf32>
    %reduce_min3A_255 = vector.multi_reduction <minimumf>, %select_n3A_249, %reduce_min3A_254 [1] : vector<256x4096xf32> to vector<256xf32>
    %broadcast_in_dim3A_256 = vector.shape_cast %reduce_min3A_255 : vector<256xf32> to vector<256x1xf32>
    %eq3A_257 = vector.broadcast %broadcast_in_dim3A_256 : vector<256x1xf32> to vector<256x4096xf32>
    %eq3A_258 = arith.cmpf oeq, %select_n3A_249, %eq3A_257 : vector<256x4096xf32>
    %jit3A_259 = arith.constant 0x7F800000 : f32
    %broadcast_in_dim3A_260 = vector.broadcast %jit3A_259 : f32 to vector<256x4096xf32>
    %select_n3A_261 = arith.select %eq3A_258, %select_n3A_250, %broadcast_in_dim3A_260 : vector<256x4096xi1>, vector<256x4096xf32>
    %reduce_min3A_262 = arith.constant dense<0x7F800000> : vector<256xf32>
    %reduce_min3A_263 = vector.multi_reduction <minimumf>, %select_n3A_261, %reduce_min3A_262 [1] : vector<256x4096xf32> to vector<256xf32>
    %broadcast_in_dim3A_264 = vector.shape_cast %reduce_min3A_263 : vector<256xf32> to vector<256x1xf32>
    %mul3A_265 = arith.constant -1.000000e+01 : f32
    %mul3A_266 = vector.broadcast %mul3A_265 : f32 to vector<256x1xf32>
    %mul3A_267 = arith.mulf %mul3A_266, %broadcast_in_dim3A_256 : vector<256x1xf32>
    %exp3A_268 = math.exp %mul3A_267 : vector<256x1xf32>
    %add3A_269 = arith.addf %add3A_234, %exp3A_268 : vector<256x1xf32>
    %gt3A_270 = arith.cmpf ogt, %broadcast_in_dim3A_264, %broadcast_in_dim3A : vector<256x1xf32>
    %sub3A_271 = arith.constant 1.000000e+00 : f32
    %sub3A_272 = vector.broadcast %sub3A_271 : f32 to vector<256x1xf32>
    %sub3A_273 = arith.subf %broadcast_in_dim3A_264, %sub3A_272 : vector<256x1xf32>
    %select_n3A_274 = arith.select %gt3A_270, %sub3A_273, %broadcast_in_dim3A_264 : vector<256x1xi1>, vector<256x1xf32>
    %eq3A_275 = arith.constant 6 : i32
    %eq3A_276 = vector.broadcast %eq3A_275 : i32 to vector<256x128xi32>
    %eq3A_277 = arith.cmpi eq, %iota3A_45, %eq3A_276 : vector<256x128xi32>
    %convert_element_type3A_278 = arith.fptosi %select_n3A_274 : vector<256x1xf32> to vector<256x1xi32>
    %broadcast_in_dim3A_279 = vector.shape_cast %convert_element_type3A_278 : vector<256x1xi32> to vector<256x1xi32>
    %broadcast_in_dim3A_280 = vector.broadcast %broadcast_in_dim3A_279 : vector<256x1xi32> to vector<256x128xi32>
    %select_n3A_281 = arith.select %eq3A_277, %broadcast_in_dim3A_280, %select_n3A_246 : vector<256x128xi1>, vector<256x128xi32>
    %eq3A_282 = vector.broadcast %broadcast_in_dim3A_264 : vector<256x1xf32> to vector<256x4096xf32>
    %eq3A_283 = arith.cmpf oeq, %select_n3A_250, %eq3A_282 : vector<256x4096xf32>
    %select_n3A_284 = arith.select %eq3A_283, %select_n3A_253, %select_n3A_249 : vector<256x4096xi1>, vector<256x4096xf32>
    %select_n3A_285 = arith.select %eq3A_283, %select_n3A_40, %select_n3A_250 : vector<256x4096xi1>, vector<256x4096xf32>
    %jit3A_286 = arith.constant 0x7F800000 : f32
    %broadcast_in_dim3A_287 = vector.broadcast %jit3A_286 : f32 to vector<256x4096xf32>
    %select_n3A_288 = arith.select %eq3A_283, %broadcast_in_dim3A_287, %select_n3A_253 : vector<256x4096xi1>, vector<256x4096xf32>
    %reduce_min3A_289 = arith.constant dense<0x7F800000> : vector<256xf32>
    %reduce_min3A_290 = vector.multi_reduction <minimumf>, %select_n3A_284, %reduce_min3A_289 [1] : vector<256x4096xf32> to vector<256xf32>
    %broadcast_in_dim3A_291 = vector.shape_cast %reduce_min3A_290 : vector<256xf32> to vector<256x1xf32>
    %eq3A_292 = vector.broadcast %broadcast_in_dim3A_291 : vector<256x1xf32> to vector<256x4096xf32>
    %eq3A_293 = arith.cmpf oeq, %select_n3A_284, %eq3A_292 : vector<256x4096xf32>
    %jit3A_294 = arith.constant 0x7F800000 : f32
    %broadcast_in_dim3A_295 = vector.broadcast %jit3A_294 : f32 to vector<256x4096xf32>
    %select_n3A_296 = arith.select %eq3A_293, %select_n3A_285, %broadcast_in_dim3A_295 : vector<256x4096xi1>, vector<256x4096xf32>
    %reduce_min3A_297 = arith.constant dense<0x7F800000> : vector<256xf32>
    %reduce_min3A_298 = vector.multi_reduction <minimumf>, %select_n3A_296, %reduce_min3A_297 [1] : vector<256x4096xf32> to vector<256xf32>
    %broadcast_in_dim3A_299 = vector.shape_cast %reduce_min3A_298 : vector<256xf32> to vector<256x1xf32>
    %mul3A_300 = arith.constant -1.000000e+01 : f32
    %mul3A_301 = vector.broadcast %mul3A_300 : f32 to vector<256x1xf32>
    %mul3A_302 = arith.mulf %mul3A_301, %broadcast_in_dim3A_291 : vector<256x1xf32>
    %exp3A_303 = math.exp %mul3A_302 : vector<256x1xf32>
    %add3A_304 = arith.addf %add3A_269, %exp3A_303 : vector<256x1xf32>
    %gt3A_305 = arith.cmpf ogt, %broadcast_in_dim3A_299, %broadcast_in_dim3A : vector<256x1xf32>
    %sub3A_306 = arith.constant 1.000000e+00 : f32
    %sub3A_307 = vector.broadcast %sub3A_306 : f32 to vector<256x1xf32>
    %sub3A_308 = arith.subf %broadcast_in_dim3A_299, %sub3A_307 : vector<256x1xf32>
    %select_n3A_309 = arith.select %gt3A_305, %sub3A_308, %broadcast_in_dim3A_299 : vector<256x1xi1>, vector<256x1xf32>
    %eq3A_310 = arith.constant 7 : i32
    %eq3A_311 = vector.broadcast %eq3A_310 : i32 to vector<256x128xi32>
    %eq3A_312 = arith.cmpi eq, %iota3A_45, %eq3A_311 : vector<256x128xi32>
    %convert_element_type3A_313 = arith.fptosi %select_n3A_309 : vector<256x1xf32> to vector<256x1xi32>
    %broadcast_in_dim3A_314 = vector.shape_cast %convert_element_type3A_313 : vector<256x1xi32> to vector<256x1xi32>
    %broadcast_in_dim3A_315 = vector.broadcast %broadcast_in_dim3A_314 : vector<256x1xi32> to vector<256x128xi32>
    %select_n3A_316 = arith.select %eq3A_312, %broadcast_in_dim3A_315, %select_n3A_281 : vector<256x128xi1>, vector<256x128xi32>
    %eq3A_317 = vector.broadcast %broadcast_in_dim3A_299 : vector<256x1xf32> to vector<256x4096xf32>
    %eq3A_318 = arith.cmpf oeq, %select_n3A_285, %eq3A_317 : vector<256x4096xf32>
    %select_n3A_319 = arith.select %eq3A_318, %select_n3A_288, %select_n3A_284 : vector<256x4096xi1>, vector<256x4096xf32>
    %select_n3A_320 = arith.select %eq3A_318, %select_n3A_40, %select_n3A_285 : vector<256x4096xi1>, vector<256x4096xf32>
    %jit3A_321 = arith.constant 0x7F800000 : f32
    %broadcast_in_dim3A_322 = vector.broadcast %jit3A_321 : f32 to vector<256x4096xf32>
    %select_n3A_323 = arith.select %eq3A_318, %broadcast_in_dim3A_322, %select_n3A_288 : vector<256x4096xi1>, vector<256x4096xf32>
    %reduce_min3A_324 = arith.constant dense<0x7F800000> : vector<256xf32>
    %reduce_min3A_325 = vector.multi_reduction <minimumf>, %select_n3A_319, %reduce_min3A_324 [1] : vector<256x4096xf32> to vector<256xf32>
    %broadcast_in_dim3A_326 = vector.shape_cast %reduce_min3A_325 : vector<256xf32> to vector<256x1xf32>
    %eq3A_327 = vector.broadcast %broadcast_in_dim3A_326 : vector<256x1xf32> to vector<256x4096xf32>
    %eq3A_328 = arith.cmpf oeq, %select_n3A_319, %eq3A_327 : vector<256x4096xf32>
    %jit3A_329 = arith.constant 0x7F800000 : f32
    %broadcast_in_dim3A_330 = vector.broadcast %jit3A_329 : f32 to vector<256x4096xf32>
    %select_n3A_331 = arith.select %eq3A_328, %select_n3A_320, %broadcast_in_dim3A_330 : vector<256x4096xi1>, vector<256x4096xf32>
    %reduce_min3A_332 = arith.constant dense<0x7F800000> : vector<256xf32>
    %reduce_min3A_333 = vector.multi_reduction <minimumf>, %select_n3A_331, %reduce_min3A_332 [1] : vector<256x4096xf32> to vector<256xf32>
    %broadcast_in_dim3A_334 = vector.shape_cast %reduce_min3A_333 : vector<256xf32> to vector<256x1xf32>
    %mul3A_335 = arith.constant -1.000000e+01 : f32
    %mul3A_336 = vector.broadcast %mul3A_335 : f32 to vector<256x1xf32>
    %mul3A_337 = arith.mulf %mul3A_336, %broadcast_in_dim3A_326 : vector<256x1xf32>
    %exp3A_338 = math.exp %mul3A_337 : vector<256x1xf32>
    %add3A_339 = arith.addf %add3A_304, %exp3A_338 : vector<256x1xf32>
    %gt3A_340 = arith.cmpf ogt, %broadcast_in_dim3A_334, %broadcast_in_dim3A : vector<256x1xf32>
    %sub3A_341 = arith.constant 1.000000e+00 : f32
    %sub3A_342 = vector.broadcast %sub3A_341 : f32 to vector<256x1xf32>
    %sub3A_343 = arith.subf %broadcast_in_dim3A_334, %sub3A_342 : vector<256x1xf32>
    %select_n3A_344 = arith.select %gt3A_340, %sub3A_343, %broadcast_in_dim3A_334 : vector<256x1xi1>, vector<256x1xf32>
    %eq3A_345 = arith.constant 8 : i32
    %eq3A_346 = vector.broadcast %eq3A_345 : i32 to vector<256x128xi32>
    %eq3A_347 = arith.cmpi eq, %iota3A_45, %eq3A_346 : vector<256x128xi32>
    %convert_element_type3A_348 = arith.fptosi %select_n3A_344 : vector<256x1xf32> to vector<256x1xi32>
    %broadcast_in_dim3A_349 = vector.shape_cast %convert_element_type3A_348 : vector<256x1xi32> to vector<256x1xi32>
    %broadcast_in_dim3A_350 = vector.broadcast %broadcast_in_dim3A_349 : vector<256x1xi32> to vector<256x128xi32>
    %select_n3A_351 = arith.select %eq3A_347, %broadcast_in_dim3A_350, %select_n3A_316 : vector<256x128xi1>, vector<256x128xi32>
    %eq3A_352 = vector.broadcast %broadcast_in_dim3A_334 : vector<256x1xf32> to vector<256x4096xf32>
    %eq3A_353 = arith.cmpf oeq, %select_n3A_320, %eq3A_352 : vector<256x4096xf32>
    %select_n3A_354 = arith.select %eq3A_353, %select_n3A_323, %select_n3A_319 : vector<256x4096xi1>, vector<256x4096xf32>
    %select_n3A_355 = arith.select %eq3A_353, %select_n3A_40, %select_n3A_320 : vector<256x4096xi1>, vector<256x4096xf32>
    %reduce_min3A_356 = arith.constant dense<0x7F800000> : vector<256xf32>
    %reduce_min3A_357 = vector.multi_reduction <minimumf>, %select_n3A_354, %reduce_min3A_356 [1] : vector<256x4096xf32> to vector<256xf32>
    %broadcast_in_dim3A_358 = vector.shape_cast %reduce_min3A_357 : vector<256xf32> to vector<256x1xf32>
    %eq3A_359 = vector.broadcast %broadcast_in_dim3A_358 : vector<256x1xf32> to vector<256x4096xf32>
    %eq3A_360 = arith.cmpf oeq, %select_n3A_354, %eq3A_359 : vector<256x4096xf32>
    %jit3A_361 = arith.constant 0x7F800000 : f32
    %broadcast_in_dim3A_362 = vector.broadcast %jit3A_361 : f32 to vector<256x4096xf32>
    %select_n3A_363 = arith.select %eq3A_360, %select_n3A_355, %broadcast_in_dim3A_362 : vector<256x4096xi1>, vector<256x4096xf32>
    %reduce_min3A_364 = arith.constant dense<0x7F800000> : vector<256xf32>
    %reduce_min3A_365 = vector.multi_reduction <minimumf>, %select_n3A_363, %reduce_min3A_364 [1] : vector<256x4096xf32> to vector<256xf32>
    %broadcast_in_dim3A_366 = vector.shape_cast %reduce_min3A_365 : vector<256xf32> to vector<256x1xf32>
    %mul3A_367 = arith.constant -1.000000e+01 : f32
    %mul3A_368 = vector.broadcast %mul3A_367 : f32 to vector<256x1xf32>
    %mul3A_369 = arith.mulf %mul3A_368, %broadcast_in_dim3A_358 : vector<256x1xf32>
    %exp3A_370 = math.exp %mul3A_369 : vector<256x1xf32>
    %add3A_371 = arith.addf %add3A_339, %exp3A_370 : vector<256x1xf32>
    %gt3A_372 = arith.cmpf ogt, %broadcast_in_dim3A_366, %broadcast_in_dim3A : vector<256x1xf32>
    %sub3A_373 = arith.constant 1.000000e+00 : f32
    %sub3A_374 = vector.broadcast %sub3A_373 : f32 to vector<256x1xf32>
    %sub3A_375 = arith.subf %broadcast_in_dim3A_366, %sub3A_374 : vector<256x1xf32>
    %select_n3A_376 = arith.select %gt3A_372, %sub3A_375, %broadcast_in_dim3A_366 : vector<256x1xi1>, vector<256x1xf32>
    %eq3A_377 = arith.constant 9 : i32
    %eq3A_378 = vector.broadcast %eq3A_377 : i32 to vector<256x128xi32>
    %eq3A_379 = arith.cmpi eq, %iota3A_45, %eq3A_378 : vector<256x128xi32>
    %convert_element_type3A_380 = arith.fptosi %select_n3A_376 : vector<256x1xf32> to vector<256x1xi32>
    %broadcast_in_dim3A_381 = vector.shape_cast %convert_element_type3A_380 : vector<256x1xi32> to vector<256x1xi32>
    %broadcast_in_dim3A_382 = vector.broadcast %broadcast_in_dim3A_381 : vector<256x1xi32> to vector<256x128xi32>
    %select_n3A_383 = arith.select %eq3A_379, %broadcast_in_dim3A_382, %select_n3A_351 : vector<256x128xi1>, vector<256x128xi32>
    %squeeze3A = vector.shape_cast %add3A_371 : vector<256x1xf32> to vector<256xf32>
    %log3A_384 = math.log %squeeze3A : vector<256xf32>
    %sub3A_385 = arith.subf %log3A, %log3A_384 : vector<256xf32>
    %swap3A = arith.constant 0 : index
    %swap3A_386 = arith.constant 0 : index
    %swap3A_387 = arith.constant 0 : index
    %swap3A_388 = vector.load %arg6[%swap3A, %swap3A_386, %swap3A_387] : memref<1x1x256xf32, #tpu.memory_space<vmem>>, vector<1x1x256xf32>
    %swap3A_389 = vector.shape_cast %swap3A_388 : vector<1x1x256xf32> to vector<256xf32>
    %swap3A_390 = vector.shape_cast %sub3A_385 : vector<256xf32> to vector<1x1x256xf32>
    tpu.vector_store %arg6[%swap3A, %swap3A_386, %swap3A_387], %swap3A_390 {strides = array<i32>} : memref<1x1x256xf32, #tpu.memory_space<vmem>>, vector<1x1x256xf32>,
    %swap3A_391 = arith.constant 0 : index
    %swap3A_392 = arith.constant 0 : index
    %swap3A_393 = arith.constant 0 : index
    %swap3A_394 = vector.load %arg5[%swap3A_391, %swap3A_392, %swap3A_393] : memref<1x256x128xi32, #tpu.memory_space<vmem>>, vector<1x256x128xi32>
    %swap3A_395 = vector.shape_cast %swap3A_394 : vector<1x256x128xi32> to vector<256x128xi32>
    %swap3A_396 = vector.shape_cast %select_n3A_383 : vector<256x128xi32> to vector<1x256x128xi32>
    tpu.vector_store %arg5[%swap3A_391, %swap3A_392, %swap3A_393], %swap3A_396 {strides = array<i32>} : memref<1x256x128xi32, #tpu.memory_space<vmem>>, vector<1x256x128xi32>,
    return
  }
  func.func @transform_0(%arg0: i32, %arg1: i32) -> (i32, i32, i32) {
    %c0_i32 = arith.constant 0 : i32
    %c0_i32_0 = arith.constant 0 : i32
    return %arg0, %arg1, %c0_i32 : i32, i32, i32
  }
  func.func @transform_1(%arg0: i32, %arg1: i32) -> (i32, i32, i32) {
    %c0_i32 = arith.constant 0 : i32
    %c0_i32_0 = arith.constant 0 : i32
    %c0_i32_1 = arith.constant 0 : i32
    return %arg0, %c0_i32, %c0_i32_0 : i32, i32, i32
  }
  func.func @transform_2(%arg0: i32, %arg1: i32) -> (i32, i32, i32) {
    %c0_i32 = arith.constant 0 : i32
    %c0_i32_0 = arith.constant 0 : i32
    %c0_i32_1 = arith.constant 0 : i32
    return %arg1, %c0_i32, %c0_i32_0 : i32, i32, i32
  }
  func.func @transform_3(%arg0: i32, %arg1: i32) -> (i32, i32, i32) {
    %c0_i32 = arith.constant 0 : i32
    %c0_i32_0 = arith.constant 0 : i32
    return %arg0, %arg1, %c0_i32 : i32, i32, i32
  }
  func.func @transform_4(%arg0: i32, %arg1: i32) -> (i32, i32, i32) {
    %mul3A = arith.constant 4 : i32
    %mul3A_0 = arith.muli %arg0, %mul3A : i32
    %add3A = arith.addi %mul3A_0, %arg1 : i32
    %c0_i32 = arith.constant 0 : i32
    %c0_i32_1 = arith.constant 0 : i32
    %c0_i32_2 = arith.constant 0 : i32
    return %add3A, %c0_i32, %c0_i32_1 : i32, i32, i32
  }
}

</mosaic_0001>

<sc_bundles>
// kernel: kernel.5.cloned.1.call-start
scs
__scs_entry_jumppad:
0x0: {  	(pc) =	sbr.rel $0x88, $3  }
0x1: {  	(tag) =	ssettag $0x0;
	lr =	simm.s32 $0x1  }
0x2: {  	[smem:$0x3F9C] =	sst lr;
	_ =	strace $0xD0000000  }
0x3: {  	_ = 	snop  }
0x4: {  	_ = 	snop  }
0x5: {  	_ = 	snop  }
0x6: {  	_ = 	snop  }
0x7: {  	_ = 	snop  }
__scs_overlays_trampoline_lowered:
0x8: {  	[smem:$0x3FAB] =	sst s0  }
0x9: {  	[smem:$0x3FAC] =	sst s1  }
0xa: {  	[smem:$0x3FAD] =	sst s2  }
0xb: {  	[smem:$0x3FAE] =	sst s3  }
0xc: {  	[smem:$0x3FAF] =	sst s4  }
0xd: {  	[smem:$0x3FB0] =	sst s5  }
0xe: {  	[smem:$0x3FB1] =	sst s6  }
0xf: {  	[smem:$0x3FB2] =	sst s7  }
0x10: {  	[smem:$0x3FB3] =	sst s8  }
0x11: {  	[smem:$0x3FB4] =	sst s9;
	s0 =	simm.s32 @!p0 $0x0  }
0x12: {  	s1 =	sld [smem:$0x3F9A];
	s0 =	simm.s32 @p0 $0x1  }
0x13: {  	[smem:$0x3FB5] =	sst s0;
	s0 =	simm.s32 @!p1 $0x0  }
0x14: {  	s2 =	sld [smem:$0x3F99];
	s0 =	simm.s32 @p1 $0x1  }
0x15: {  	[smem:$0x3FB6] =	sst s0;
	s0 =	simm.s32 @!p2 $0x0  }
0x16: {  	s3 =	sld [smem:$0x3FDB];
	s0 =	simm.s32 @p2 $0x1  }
0x17: {  	s4 =	simm.s32 $0x1BF5;
	[smem:$0x3FB8] =	sst s0  }
0x18: {  	s0 =	sld [smem:$0x3F9B];
	_ =	swait.ge [sflag:s4], $0x0  }
0x19: {  	s7 =	sld [smem:$0x3F9C]  }
0x1a: {  	s8 =	sadd.s32 $0xFFFFE003, lr  }
0x1b: {  	s9 =	sadd.s32 $0xFFFFFEF7, lr;
	s5 =	simm.s32 $0xFFFFFFFF;
	p2 =	slt.u32 s8, $0xFFFFF086  }
0x1c: {  	p1 =	slt.u32 s9, $0xF7A;
	s5 =	simm.s32 @!p2 $0x0  }
0x1d: {  	s5 =	simm.s32 @p1 $0x1;
	p0 =	seq.s32 s7, s2  }
0x1e: {  	s7 =	smul.u32 @!p0 $0xF7A, s2;
	p2 =	seq.s32 @!p0 s5, $0x0  }
0x1f: {  	s9 =	smul.u32 $0xF7A, s1;
	s8 =	simm.s32 @!p0 $0x1BF5;
	p2 =	por !p2, p0  }
0x20: {  	[sflag:s8] =	ssyncset.s32 @!p0 $0xFFFFF086;
	s6 =	sadd.s32 @!p0 s3, s7;
	s7 =	simm.s32 @!p0 $0x108  }
0x21: {  	s3 =	sadd.s32 s3, s9;
	s6 =	sadd.s32 @!p0 $0x88, s6;
	s7 =	simm.s32 @p2 $0x1082  }
0x22: {  	[simem:s7], [sflag:s8] =	dma.local @!p0 [hbm:s6], $0xF7A  }
0x23: {  	s9 =	sor.u32 $0xD0000000, s2;
	s6 =	simm.s32 $0x108;
	_ =	swait.ge @!p0 [sflag:s8], $0x0  }
0x24: {  	s3 =	sadd.s32 $0x88, s3;
	s6 =	simm.s32 @!p1 $0x1082;
	[sflag:s4] =	ssyncset.s32 $0xFFFFF086  }
0x25: {  	[simem:s6], [sflag:s4] =	dma.local [hbm:s3], $0xF7A  }
0x26: {  	[smem:$0x3F9C] =	sst s1;
	(tag) =	ssettag s2;
	_ =	strace s9  }
0x27: {  	s1 =	sld [smem:$0x3FAC]  }
0x28: {  	s2 =	sld [smem:$0x3FAD]  }
0x29: {  	s4 =	sld [smem:$0x3FAF]  }
0x2a: {  	p0 =	seq.s32 s5, $0x0;
	s5 =	sld [smem:$0x3FB0]  }
0x2b: {  	s6 =	sld [smem:$0x3FB1]  }
0x2c: {  	s7 =	sld [smem:$0x3FB2]  }
0x2d: {  	s3 =	simm.s32 $0x108;
	s8 =	sld [smem:$0x3FB3]  }
0x2e: {  	s3 =	simm.s32 @!p0 $0x1082;
	s9 =	sld [smem:$0x3FB4]  }
0x2f: {  	lr =	sadd.s32 s0, s3;
	s0 =	sld [smem:$0x3FAB]  }
0x30: {  	s3 =	sld [smem:$0x3FAE]  }
0x31: {  	[smem:$0x3FB7] =	sst s10  }
0x32: {  	s10 =	sld [smem:$0x3FB5];
	_ =	sdelay $0x3  }
0x33: {  	p0 =	seq.s32 s10, $0x1;
	s10 =	sld [smem:$0x3FB7];
	_ =	sdelay $0x3  }
0x34: {  	[smem:$0x3FB7] =	sst s10  }
0x35: {  	s10 =	sld [smem:$0x3FB6];
	_ =	sdelay $0x3  }
0x36: {  	p1 =	seq.s32 s10, $0x1;
	s10 =	sld [smem:$0x3FB7];
	_ =	sdelay $0x3  }
0x37: {  	[smem:$0x3FB7] =	sst s10  }
0x38: {  	s10 =	sld [smem:$0x3FB8]  }
0x39: {  	_ = 	snop;
	(pc) =	sbr.ind lr, $3  }
0x3a: {  	_ = 	snop  }
0x3b: {  	_ = 	snop  }
0x3c: {  	p2 =	seq.s32 s10, $0x1;
	s10 =	sld [smem:$0x3FB7]  }
0x3d: {  	_ =	shalt  }
0x3e: {  	_ =	shalt  }
0x3f: {  	_ =	shalt  }
0x40: {  	_ =	shalt  }
0x41: {  	_ =	shalt  }
0x42: {  	_ =	shalt  }
0x43: {  	_ =	shalt  }
0x44: {  	_ =	shalt  }
0x45: {  	_ =	shalt  }
0x46: {  	_ =	shalt  }
0x47: {  	_ =	shalt  }
0x48: {  	_ =	shalt  }
0x49: {  	_ =	shalt  }
0x4a: {  	_ =	shalt  }
0x4b: {  	_ =	shalt  }
0x4c: {  	_ =	shalt  }
0x4d: {  	_ =	shalt  }
0x4e: {  	_ =	shalt  }
0x4f: {  	_ =	shalt  }
0x50: {  	_ =	shalt  }
0x51: {  	_ =	shalt  }
0x52: {  	_ =	shalt  }
0x53: {  	_ =	shalt  }
0x54: {  	_ =	shalt  }
0x55: {  	_ =	shalt  }
0x56: {  	_ =	shalt  }
0x57: {  	_ =	shalt  }
0x58: {  	_ =	shalt  }
0x59: {  	_ =	shalt  }
0x5a: {  	_ =	shalt  }
0x5b: {  	_ =	shalt  }
0x5c: {  	_ =	shalt  }
0x5d: {  	_ =	shalt  }
0x5e: {  	_ =	shalt  }
0x5f: {  	_ =	shalt  }
0x60: {  	_ =	shalt  }
0x61: {  	_ =	shalt  }
0x62: {  	_ =	shalt  }
0x63: {  	_ =	shalt  }
0x64: {  	_ =	shalt  }
0x65: {  	_ =	shalt  }
0x66: {  	_ =	shalt  }
0x67: {  	_ =	shalt  }
0x68: {  	_ =	shalt  }
0x69: {  	_ =	shalt  }
0x6a: {  	_ =	shalt  }
0x6b: {  	_ =	shalt  }
0x6c: {  	_ =	shalt  }
0x6d: {  	_ =	shalt  }
0x6e: {  	_ =	shalt  }
0x6f: {  	_ =	shalt  }
0x70: {  	_ =	shalt  }
0x71: {  	_ =	shalt  }
0x72: {  	_ =	shalt  }
0x73: {  	_ =	shalt  }
0x74: {  	_ =	shalt  }
0x75: {  	_ =	shalt  }
0x76: {  	_ =	shalt  }
0x77: {  	_ =	shalt  }
0x78: {  	_ =	shalt  }
0x79: {  	_ =	shalt  }
0x7a: {  	_ =	shalt  }
0x7b: {  	_ =	shalt  }
0x7c: {  	_ =	shalt  }
0x7d: {  	_ =	shalt  }
0x7e: {  	_ =	shalt  }
0x7f: {  	_ =	shalt  }
0x80: {  	_ =	shalt  }
0x81: {  	_ =	shalt  }
0x82: {  	_ =	shalt  }
0x83: {  	_ =	shalt  }
0x84: {  	_ =	shalt  }
0x85: {  	_ =	shalt  }
0x86: {  	_ =	shalt  }
0x87: {  	_ =	shalt  }
.Lfunc_end0:
.L_simem_size_0:
called_computation_lowered:
.L_overlay_start_0:
0x88: {  	s2 =	sld [smem:$0x3FD9]  }
0x89: {  	s3 =	sld [smem:$0x3FFE];
	_ =	sdelay $0x1  }
0x8a: {  	s1 =	srdreg.scid  }
0x8b: {  	s0 =	sand.u32 $0x1, s1  }
0x8c: {  	s14 =	sshll.u32 s0, $0xA;
	s2 =	sadd.s32 s3, s2  }
0x8d: {  	s2 =	sadd.s32 s2, s14  }
0x8e: {  	[smem:$0x3FC3] =	sst s2  }
0x8f: {  	_ = 	snop  }
0x90: {  	s2 =	sld [smem:$0x3FD0];
	_ =	sdelay $0x2  }
0x91: {  	s4 =	simm.s32 $0xA;
	s5 =	simm.s32 $0x10;
	s15 =	sld [smem:$0x3FC5]  }
0x92: {  	[smem:s5], [sflag:s4] =	dma.local [hbm:s2], $0x1  }
0x93: {  	_ =	swait.eq [sflag:s4], $0x1  }
0x94: {  	[sflag:s4] =	ssyncset.done $0x0  }
0x95: {  	[sflag:s4] =	ssyncadd.s32 $0xFFFFFFFF  }
0x96: {  	s16 =	sld [smem:$0x11];
	(tm) =	ssettm $0x1  }
0x97: {  	s17 =	sld [smem:$0x3FFB];
	_ =	sdelay $0x3  }
0x98: {  	_ =	strace s17  }
0x99: {  	s4 =	sld [smem:$0x3FFC];
	_ =	sdelay $0x3  }
0x9a: {  	_ =	strace s4  }
0x9b: {  	s4 =	sld [smem:$0x3FFD];
	_ =	sdelay $0x3  }
0x9c: {  	_ =	strace s4  }
0x9d: {  	_ =	strace $0x8FFFFFFF  }
0x9e: {  	s18 =	sld [smem:$0x3FDB];
	_ =	sdelay $0x1  }
0x9f: {  	s19 =	simm.s32 $_scs_section_size  }
0xa0: {  	s6 =	simm.s32 $_size__tile_overlayer_lowered;
	s7 =	simm.s32 $_tile_overlayer_lowered  }
0xa1: {  	s22 =	simm.s32 $0x1BFF;
	s21 =	sshll.u32 s7, $0x1;
	s4 =	sadd.s32 s19, s18  }
0xa2: {  	s8 =	simm.s32 $0x0;
	s20 =	sshll.u32 s6, $0x1;
	s6 =	sadd.s32 s21, s4  }
0xa3: {  	[timem:s8], [sflag:s22] =	dma.local [hbm:s6], s20  }
0xa4: {  	_ =	swait.ge [sflag:s22], s20  }
0xa5: {  	s5 =	ssub.s32 $0x0, s20;
	[sflag:s22] =	ssyncset.done $0x0  }
0xa6: {  	[sflag:s22] =	ssyncadd.s32 s5;
	_ =	sdelay $0x1  }
0xa7: {  	s23 =	simm.s32 $0x1B8B  }
0xa8: {  	_ =	swait.ge [sflag:s23], $0x1  }
0xa9: {  	[sflag:s23] =	ssyncset.done $0x0  }
0xaa: {  	s25 =	simm.s32 $0x1B8E;
	s24 =	sld [smem:$0x3FFE];
	[sflag:s23] =	ssyncadd.s32 $0xFFFFFFFF  }
0xab: {  	s26 =	simm.s32 $execute0_lowered;
	[smem:$0x3FD2] =	sst s25  }
0xac: {  	s6 =	sshll.u32 s26, $0x1;
	_ =	strace $0x80000046;
	[dreg:$0x1] =	wrdreg $0xFFFFFFFF  }
0xad: {  	s28 =	simm.s32 $_size_execute0_lowered;
	s4 =	sadd.s32 s4, s6;
	[dreg:$0x0] =	wrdreg $0x0  }
0xae: {  	s6 =	sshll.u32 s28, $0x1;
	[dreg:$0x2] =	wrdreg s4  }
0xaf: {  	[dreg:$0x3] =	wrdreg s6  }
0xb0: {  	[dreg:$0x4] =	wrdreg $0xC0  }
0xb1: {  	_ =	task [dreg:s8], $0x5FFFF  }
0xb2: {  	[dreg:$0x1] =	wrdreg $0xFFFFFFFF  }
0xb3: {  	[dreg:$0x0] =	wrdreg $0x60  }
0xb4: {  	[dreg:$0x2] =	wrdreg s16  }
0xb5: {  	[dreg:$0x3] =	wrdreg s15  }
0xb6: {  	[dreg:$0x4] =	wrdreg s24  }
0xb7: {  	[dreg:$0x5] =	wrdreg $0x9  }
0xb8: {  	_ =	task.clear_ibuf [dreg:s8], $0x6FFFF;
	_ =	strace $0x90000046  }
0xb9: {  	s29 =	simm.s32 $0x9;
	_ =	strace $0x80000048  }
0xba: {  	_ =	swait.ge [sflag:s29], $0x1  }
0xbb: {  	[sflag:s29] =	ssyncadd.s32 $0xFFFFFFFF  }
0xbc: {  	_ =	strace $0x90000048  }
0xbd: {  	_ =	sfence  }
0xbe: {  	s30 =	sld [smem:$0x0];
	_ =	sdelay $0x2  }
0xbf: {  	s31 =	sshll.u32 s1, $0xD;
	s1 =	sshrl.u32 s1, $0x2  }
0xc0: {  	s3 =	sand.u32 $0x4000, s31;
	s1 =	sadd.s32 s1, s30  }
0xc1: {  	s0 =	sor.u32 s3, s0;
	s1 =	sshll.u32 s1, $0x11  }
0xc2: {  	s0 =	sor.u32 s1, s0  }
0xc3: {  	s0 =	sadd.s32 $0x8F2B, s0  }
0xc4: {  	[sflag:s0] =	ssyncadd.remote.s32 $0x1  }
0xc5: {  	_ =	sfence.sel $0xFFFF  }
0xc6: {  	[dreg:$0x0] =	wrdreg $0xFFFFFFFF;
	(pc) =	sbr.abs _section_cstart, $3  }
0xc7: {  	[dreg:$0x1] =	wrdreg $0xFFFFFFFF  }
0xc8: {  	_ =	task.clear_ibuf [dreg:s8], $0x2FFFF;
	_ =	strace $0x9FFFFFFF  }
0xc9: {  	(tm) =	ssettm $0x7FFFFFFF  }
tec
execute0_lowered:
.L_overlay_start_1:
0x0: {  	(tag) =	ssettag $0x1  }
0x1: {  	s4 =	rddreg [dreg:$0x0]  }
0x2: {  	s2 =	rddreg [dreg:$0x1];
	s1 =	srdreg.scid  }
0x3: {  	s0 =	stileid.u32;
	s5 =	rddreg [dreg:$0x2]  }
0x4: {  	s9 =	simm.s32 $0x2500;
	s6 =	sand.u32 $0x1, s1;
	s3 =	sshll.u32 s0, $0x1  }
0x5: {  	s10 =	simm.s32 $0x0;
	s7 =	sor.u32 s6, s3;
	s3 =	simm.s32 $0x0  }
0x6: {  	s6 =	ssub.s32 $0x2, s6;
	s7 =	smul.u32 $0xA0, s7;
	[smem:$0x7FF] =	sst s3  }
0x7: {  	s1 =	rddreg [dreg:$0x3];
	s8 =	sshrl.u32 s6, $0x1;
	_ =	strace $0x80000047  }
0x8: {  	s6 =	ssub.s32 s6, s8;
	s8 =	simm.s32 $0x500;
	s4 =	sadd.s32 s4, s7  }
0x9: {  	s5 =	sadd.s32 s5, s7;
	s6 =	smax.u32 s6, $0x1;
	s7 =	simm.s32 $0x1  }
.LBB2_1:
0xa: {  	[tilespmem:s3], [sflag:$0x1] =	stream.linear.gather [hbm4b:s4+s3], $0x500, $0x38;
	[tilespmem:$0x2A00] =	vst v63  }
0xb: {  	_ =	swait.ge [sflag:s7], $0x500  }
0xc: {  	[sflag:s7] =	ssyncset.done $0x0  }
0xd: {  	[sflag:s7] =	ssyncadd.s32 $0xFFFFFB00  }
0xe: {  	[tilespmem:s8], [sflag:$0x1] =	stream.linear.gather [hbm4b:s2+s3], $0x2000, $0x38;
	[tilespmem:$0x2A00] =	vst v63  }
0xf: {  	_ =	swait.ge [sflag:s7], $0x2000  }
0x10: {  	[sflag:s7] =	ssyncset.done $0x0  }
0x11: {  	s11 =	simm.s32 $0x0;
	[sflag:s7] =	ssyncadd.s32 $0xFFFFE000  }
0x12: {  	v0 =	vld [tilespmem:s11+$0x0];
	_ =	sdelay $0x7  }
0x13: {  	s12 =	simm.s32 $0x10;
	s13 =	simm.s32 $0x80;
	v0 =	vld.idx.msk [tilespmem:v0+s8+$0x0], $0xffff  }
.LBB2_2:
0x14: {  	p0 =	sne.s32 s13, $0x13C0;
	v1 =	vld [tilespmem:s12+$0x0];
	_ =	sdelay $0x3  }
.Ltmp0:
0x15: {  	(pc) =	sbr.rel @p0 .LBB2_2-.Ltmp0, $2  }
0x16: {  	[tilespmem:s11+$0x2500] =	vst v0;
	s11 =	smov.u32 s12;
	_ =	sdelay $0x2  }
0x17: {  	s12 =	sshra.s32 s13, $0x2;
	s13 =	sadd.s32 $0x40, s13;
	v0 =	vld.idx.msk [tilespmem:v1+s8+$0x0], $0xffff  }
0x18: {  	v1 =	vld [tilespmem:s12+$0x0];
	_ =	sdelay $0x6  }
0x19: {  	[tilespmem:s11+$0x2500] =	vst v0  }
0x1a: {  	v0 =	vld.idx.msk [tilespmem:v1+s8+$0x0], $0xffff;
	_ =	sdelay $0x2  }
0x1b: {  	s10 =	sadd.s32 $0x1, s10  }
0x1c: {  	p0 =	sne.s32 s10, s6  }
.Ltmp1:
0x1d: {  	[tilespmem:s12+$0x2500] =	vst v0;
	(pc) =	sbr.rel @p0 .LBB2_1-.Ltmp1, $4  }
0x1e: {  	[hbm4b:s5+s3] =	stream.linear.scatter [tilespmem:s9], [sflag:$0x1], $0x500, $0x38;
	[tilespmem:$0x2A00] =	vst v63  }
0x1f: {  	_ =	swait.ge [sflag:s7], $0x500  }
0x20: {  	[sflag:s7] =	ssyncset.done $0x0  }
0x21: {  	[sflag:s7] =	ssyncadd.s32 $0xFFFFFB00  }
0x22: {  	_ =	sfence.sel $0x180000  }
0x23: {  	[bflag:$0x0] =	sbarrier.arrive $0xFFFF  }
0x24: {  	p0 =	sne.s32 s0, $0x0;
	_ =	strace $0x90000047  }
0x25: {  	s0 =	sadd.s32 @!p0 $0x100000, s1;
	[bflag:$0x2] =	sbarrier.arrive $0xFFFF  }
0x26: {  	[sflag:s0] =	ssyncadd.tile.s32 @!p0 $0x1;
	_ =	shalt  }
.Lfunc_end2:
_tile_overlayer_lowered:
.L_overlay_start_2:
0x27: {  	(tag) =	ssettag $0x2  }
0x28: {  	s0 =	rddreg [dreg:$0x0];
	s2 =	stileid.u32  }
0x29: {  	s1 =	rddreg [dreg:$0x1];
	p0 =	sne.s32 s2, $0x0  }
0x2a: {  	s3 =	rddreg [dreg:$0x2];
	[bflag:$0x3] =	sbarrier.arrive $0xFFFF;
	s2 =	simm.s32 @!p0 $0x1C01  }
0x2b: {  	[timem:s3], [sflag:s2] =	dma.local @!p0 [hbm:s0], s1  }
0x2c: {  	s0 =	simm.s32 @!p0 $0x1  }
0x2d: {  	_ =	swait.ge @!p0 [sflag:s0], s1  }
0x2e: {  	s1 =	ssub.s32 @!p0 $0x0, s1;
	[sflag:s0] =	ssyncset.done @!p0 $0x0  }
0x2f: {  	[sflag:s0] =	ssyncadd.s32 @!p0 s1  }
0x30: {  	[bflag:$0x3] =	sbarrier.arrive $0xFFFF  }
0x31: {  	_ =	shalt  }

</sc_bundles>
